<compile_context>
chip_gen: v7x
topology: tpu7x:2x2x1
jax: 0.10.2.dev20260603
libtpu: 0.0.44.dev20260713+nightly
codegen_flags: <defaults>
</compile_context>

<pallas_src>
import functools

import jax
import jax.numpy as jnp
from jax import lax
from jax.experimental import pallas as pl
from jax.experimental.pallas import tpu as pltpu
from jax.experimental.pallas import tpu_sc as plsc

MIDDLE = 30
FEATURES = 26
EMBED_DIM = 32
BATCH = 16384

FPAD = 28
FC = FPAD // 4
NC = 2
NS = 16
NW = NC * NS
BPW = BATCH // NW
BFP = BATCH * FPAD
RPW = BFP // NW
IDXW = 128
CHUNK = 512
KSUB = CHUNK // IDXW
NSTEP = RPW // CHUNK
NLISTS = NSTEP * KSUB
NVEC = NLISTS * (IDXW // 16)
OUT_ROWS = BFP // 4
ORPW = OUT_ROWS // NW
OCHUNK = CHUNK // 4

DENSE_BLK = 1024
XROWS_BLK = DENSE_BLK // 8 * (FC * 8)


def _build_lists(islab, idx_v, wid):
    lanes = lax.iota(jnp.int32, 16)

    @plsc.parallel_loop(0, NVEC, unroll=2)
    def bv(v):
        t_local = v // 14
        g = (v % 14) * 16 + lanes
        fc = g >> 5
        r2 = (g >> 2) & 7
        fr = g & 3
        f = jnp.where((fc == 6) & (fr >= 2), fr - 2, fc * 4 + fr)
        b_local = t_local * 8 + r2
        vals = plsc.load_gather(islab, [f, b_local])
        local = t_local * 224 + g
        lst = ((local >> 9) << 2) | (local & 3)
        plsc.store_scatter(idx_v, [lst, (local >> 2) & 127], vals)


NTILE = 580000 // 128
TTAIL = 580000 - NTILE * 128
TPW = -(-(NTILE + 1) // NW)


@functools.partial(
    pl.kernel,
    mesh=plsc.VectorSubcoreMesh(core_axis_name="c", subcore_axis_name="s"),
    out_type=jax.ShapeDtypeStruct((580000 * EMBED_DIM,), jnp.float32),
    scratch_types=[
        pltpu.VMEM((2, EMBED_DIM, 128), jnp.float32),
        pltpu.VMEM((2, EMBED_DIM * 128), jnp.float32),
        pltpu.VMEM((128 * 33,), jnp.float32),
        pltpu.VMEM((TTAIL * EMBED_DIM,), jnp.float32),
        pltpu.SemaphoreType.DMA,
        pltpu.SemaphoreType.DMA,
    ],
    compiler_params=pltpu.CompilerParams(
        use_tc_tiling_on_sc=True, needs_layout_passes=False
    ),
)
def _sc_retile(tt_hbm, tail_hbm, out_hbm, tbuf, obuf, stage, tailbuf,
               isem, osem):
    wid = lax.axis_index("s") * NC + lax.axis_index("c")
    lanes = lax.iota(jnp.int32, 16)

    def in_dma(k, par, issue=True):
        t = wid + k * NW
        mk = pltpu.async_copy if issue else pltpu.make_async_copy
        return mk(
            tt_hbm.at[:, pl.ds(pl.multiple_of(t * 128, 128), 128)],
            tbuf.at[par],
            isem,
        )

    in_dma(0, 0)

    def step(k, par):
        t = wid + k * NW
        valid = t < NTILE

        @pl.when(wid + (k + 1) * NW < NTILE)
        def _():
            in_dma(k + 1, 1 - par)

        @pl.when(valid)
        def _():
            in_dma(k, par, issue=False).wait()

            @pl.when(k >= 2)
            def _():
                tp = wid + (k - 2) * NW
                pltpu.make_async_copy(
                    obuf.at[par],
                    out_hbm.at[
                        pl.ds(
                            pl.multiple_of(tp * (128 * EMBED_DIM), 4096),
                            128 * EMBED_DIM,
                        )
                    ],
                    osem,
                ).wait()

            @plsc.parallel_loop(0, EMBED_DIM * 8, unroll=2)
            def tr(v):
                d = v >> 3
                r0 = (v & 7) * 16
                vals = tbuf[par, d, pl.ds(r0, 16)]
                plsc.store_scatter(stage, [(r0 + lanes) * 33 + d], vals)

            @plsc.parallel_loop(0, 128, unroll=2)
            def tr2(r):
                for h in range(2):
                    obuf[par, pl.ds(r * EMBED_DIM + h * 16, 16)] = stage[
                        pl.ds(r * 33 + h * 16, 16)
                    ]

            pltpu.async_copy(
                obuf.at[par],
                out_hbm.at[
                    pl.ds(
                        pl.multiple_of(t * (128 * EMBED_DIM), 4096),
                        128 * EMBED_DIM,
                    )
                ],
                osem,
            )

        return 1 - par

    lax.fori_loop(0, TPW, step, 0)

    for back in (2, 1):
        k = TPW - back
        t = wid + k * NW

        @pl.when(t < NTILE)
        def _():
            pltpu.make_async_copy(
                obuf.at[k % 2],
                out_hbm.at[
                    pl.ds(
                        pl.multiple_of(t * (128 * EMBED_DIM), 4096),
                        128 * EMBED_DIM,
                    )
                ],
                osem,
            ).wait()

    @pl.when(wid == 0)
    def _():
        pltpu.sync_copy(tail_hbm, tailbuf)
        pltpu.sync_copy(
            tailbuf,
            out_hbm.at[
                pl.ds(
                    pl.multiple_of(NTILE * 128 * EMBED_DIM, 4096),
                    TTAIL * EMBED_DIM,
                )
            ],
        )


def _gather_chunk(table_hbm, idx_v, rows_v, c, par, sem):
    return [
        pltpu.async_copy(
            table_hbm.at[idx_v.at[c * KSUB + j]],
            rows_v.at[par, pl.ds(j * IDXW, IDXW)],
            sem,
        )
        for j in range(KSUB)
    ]


def _repack_chunk(rows_v, obuf, par):

    @plsc.parallel_loop(0, OCHUNK, unroll=2)
    def rp(r):
        vals = [
            rows_v[par, j * IDXW + r, pl.ds(h * 16, 16)]
            for j in range(KSUB)
            for h in range(2)
        ]
        for k, v in enumerate(vals):
            obuf[par, r, pl.ds(k * 16, 16)] = v


@functools.partial(
    pl.kernel,
    mesh=plsc.VectorSubcoreMesh(core_axis_name="c", subcore_axis_name="s"),
    out_type=jax.ShapeDtypeStruct((OUT_ROWS, 128), jnp.float32),
    scratch_types=[
        pltpu.VMEM((FEATURES, BPW), jnp.int32),
        pltpu.VMEM((NLISTS, IDXW), jnp.int32),
        pltpu.VMEM((2, CHUNK, EMBED_DIM), jnp.float32),
        pltpu.VMEM((2, OCHUNK, 128), jnp.float32),
        pltpu.SemaphoreType.DMA,
        pltpu.SemaphoreType.DMA,
    ],
    compiler_params=pltpu.CompilerParams(
        use_tc_tiling_on_sc=False, needs_layout_passes=False
    ),
)
def _sc_gather(idxt_hbm, table_hbm, out_hbm, islab, idx_v, rows_v, obuf,
               gsem, osem):
    wid = lax.axis_index("s") * NC + lax.axis_index("c")
    obase = wid * ORPW
    pltpu.sync_copy(idxt_hbm.at[:, pl.ds(wid * BPW, BPW)], islab)
    _build_lists(islab, idx_v, wid)

    _gather_chunk(table_hbm, idx_v, rows_v, 0, 0, gsem)

    def step(c, par):
        @pl.when(c + 1 < NSTEP)
        def _():
            _gather_chunk(table_hbm, idx_v, rows_v, c + 1, 1 - par, gsem)

        for j in range(KSUB):
            pltpu.make_async_copy(
                table_hbm.at[idx_v.at[c * KSUB + j]],
                rows_v.at[par, pl.ds(j * IDXW, IDXW)],
                gsem,
            ).wait()

        @pl.when(c >= 2)
        def _():
            off_prev = pl.multiple_of(obase + (c - 2) * OCHUNK, OCHUNK)
            pltpu.make_async_copy(
                obuf.at[par], out_hbm.at[pl.ds(off_prev, OCHUNK)], osem
            ).wait()

        _repack_chunk(rows_v, obuf, par)

        off = pl.multiple_of(obase + c * OCHUNK, OCHUNK)
        pltpu.async_copy(obuf.at[par], out_hbm.at[pl.ds(off, OCHUNK)], osem)
        return 1 - par

    lax.fori_loop(0, NSTEP, step, 0)

    for back in (2, 1):
        c = NSTEP - back
        off = pl.multiple_of(obase + c * OCHUNK, OCHUNK)
        pltpu.make_async_copy(
            obuf.at[c % 2], out_hbm.at[pl.ds(off, OCHUNK)], osem
        ).wait()


def _dense_body(x_ref, w_ref, b_ref, o_ref):
    x = x_ref[...].reshape(DENSE_BLK // 8, FC, 8, 128)
    acc = jnp.zeros((DENSE_BLK, MIDDLE), dtype=jnp.float32)
    for j in range(FC):
        xj = x[:, j].reshape(DENSE_BLK, 128)
        acc += jnp.dot(
            xj,
            w_ref[pl.ds(j * 128, 128), :],
            preferred_element_type=jnp.float32,
        )
    o_ref[...] = jnp.maximum(acc + b_ref[...], 0.0)


def kernel(input, table, W, b):
    idxt = input.astype(jnp.int32).T
    tail = table[NTILE * 128 :, :].reshape(TTAIL * EMBED_DIM)
    table_lin = _sc_retile(table.T, tail).reshape(580000, EMBED_DIM)
    gathered = _sc_gather(idxt, table_lin)

    w_pad = jnp.pad(W, ((0, FC * 128 - FEATURES * EMBED_DIM), (0, 0)))
    out = pl.pallas_call(
        _dense_body,
        grid=(BATCH // DENSE_BLK,),
        in_specs=[
            pl.BlockSpec((XROWS_BLK, 128), lambda i: (i, 0)),
            pl.BlockSpec((FC * 128, MIDDLE), lambda i: (0, 0)),
            pl.BlockSpec((1, MIDDLE), lambda i: (0, 0)),
        ],
        out_specs=pl.BlockSpec((DENSE_BLK, MIDDLE), lambda i: (i, 0)),
        out_shape=jax.ShapeDtypeStruct((BATCH, MIDDLE), jnp.float32),
    )(gathered, w_pad, b.reshape(1, MIDDLE))
    return out

# --- scband reference (transcript-rebuilt; emitter-appended) ---
"""Pipeline reference for scband-bid-embedding-layer-12807592477139 (READ-ONLY COPY).

The authoritative reference and input builder live on the scoring server;
editing this copy changes nothing except your own understanding.
"""

import jax, jax.numpy as jnp
import numpy as np

MAX_DEN = 580000
MIDDLE = 30
FEATURES = 26
EMBED_DIM = 32
BATCH = 16384


def setup_inputs(seed: int = 0) -> dict:
    key = jax.random.key(seed)
    k1, k2, k3, k4 = jax.random.split(key, 4)
    input_idx = jax.random.randint(k1, (BATCH, FEATURES), 0, MAX_DEN, dtype=jnp.int64 if jax.config.jax_enable_x64 else jnp.int32)
    table = jax.random.normal(k2, (MAX_DEN, EMBED_DIM), dtype=jnp.float32) * 0.05
    W = jax.random.normal(k3, (FEATURES * EMBED_DIM, MIDDLE), dtype=jnp.float32) * (1.0 / np.sqrt(FEATURES * EMBED_DIM))
    b = jnp.zeros((MIDDLE,), dtype=jnp.float32)
    return {"input": input_idx, "table": table, "W": W, "b": b}


def reference(input, table, W, b):
    # embedding lookup: [B, F] -> [B, F, D]
    x = jnp.take(table, input, axis=0)
    # reshape: [B, F*D]
    x = x.reshape((x.shape[0], FEATURES * EMBED_DIM))
    # dense + relu: [B, 30]
    x = jnp.maximum(x @ W + b, 0.0)
    return x

if __name__ == "__main__":
    import jax
    _d = setup_inputs()
    print(jax.jit(kernel)(*tuple(_d.values())))

</pallas_src>

<mosaic_0001>
#map = affine_map<(d0, d1) -> (0, 0)>
#map1 = affine_map<(d0, d1) -> (0)>
module attributes {stable_mosaic.version = 14 : i64} {
  func.func @_sc_retile(%arg0: i32, %arg1: i32, %arg2: memref<32x580000xf32, #tpu.memory_space<hbm>>, %arg3: memref<1024xf32, #tpu.memory_space<hbm>>, %arg4: memref<18560000xf32, #tpu.memory_space<hbm>>, %arg5: memref<2x32x128xf32, #tpu.memory_space<vmem>>, %arg6: memref<2x4096xf32, #tpu.memory_space<vmem>>, %arg7: memref<4224xf32, #tpu.memory_space<vmem>>, %arg8: memref<1024xf32, #tpu.memory_space<vmem>>, %arg9: memref<!tpu.dma_semaphore, #tpu.memory_space<semaphore_mem>>, %arg10: memref<!tpu.dma_semaphore, #tpu.memory_space<semaphore_mem>>) attributes {dimension_semantics = [#tpu.dimension_semantics<core_parallel>, #tpu.dimension_semantics<subcore_parallel>], iteration_bounds = array<i64: 2, 16>, scalar_prefetch = 0 : i64, scratch_operands = 6 : i64, tpu.core_type = #tpu.core_type<sc_vector_subcore>, window_params = [{transform_indices = #map}, {transform_indices = #map1}, {transform_indices = #map1}]} {
    %mul3A = arith.constant 2 : i32
    %mul3A_0 = arith.muli %arg1, %mul3A : i32
    %add3A = arith.addi %mul3A_0, %arg0 : i32
    %iota3A = tpu.iota {dimensions = array<i32: 0>} : vector<16xi32>
    %add3A_1 = arith.constant 0 : i32
    %add3A_2 = arith.addi %add3A, %add3A_1 : i32
    %mul3A_3 = arith.constant 128 : i32
    %mul3A_4 = arith.muli %add3A_2, %mul3A_3 : i32
    %multiple_of3A = tpu.assume_multiple %mul3A_4, 128 : i32
    %dma_start3A = arith.constant 0 : i32
    %dma_start3A_5 = arith.constant 0 : i32
    %dma_start3A_6 = arith.constant 0 : i32
    %dma_start3A_7 = tpu.memref_slice %arg5[%dma_start3A, %dma_start3A_5, %dma_start3A_6] : memref<2x32x128xf32, #tpu.memory_space<vmem>> -> memref<1x32x128xf32, #tpu.memory_space<vmem>>
    %dma_start3A_8 = tpu.memref_squeeze %dma_start3A_7 : memref<1x32x128xf32, #tpu.memory_space<vmem>> -> memref<32x128xf32, #tpu.memory_space<vmem>>
    %dma_start3A_9 = arith.constant 0 : i32
    %dma_start3A_10 = tpu.memref_slice %arg2[%dma_start3A_9, %multiple_of3A] : memref<32x580000xf32, #tpu.memory_space<hbm>> -> memref<32x128xf32, #tpu.memory_space<hbm>>
    %dma_start3A_11 = arith.constant 0 : i32
    %dma_start3A_12 = arith.constant 0 : i32
    %dma_start3A_13 = tpu.memref_slice %arg5[%dma_start3A, %dma_start3A_11, %dma_start3A_12] : memref<2x32x128xf32, #tpu.memory_space<vmem>> -> memref<1x32x128xf32, #tpu.memory_space<vmem>>
    %dma_start3A_14 = tpu.memref_squeeze %dma_start3A_13 : memref<1x32x128xf32, #tpu.memory_space<vmem>> -> memref<32x128xf32, #tpu.memory_space<vmem>>
    %dma_start3A_15 = arith.constant 0 : i32
    %dma_start3A_16 = tpu.memref_slice %arg2[%dma_start3A_15, %multiple_of3A] : memref<32x580000xf32, #tpu.memory_space<hbm>> -> memref<32x128xf32, #tpu.memory_space<hbm>>
    tpu.enqueue_dma source(%dma_start3A_16 : memref<32x128xf32, #tpu.memory_space<hbm>>) target(%dma_start3A_14 : memref<32x128xf32, #tpu.memory_space<vmem>>) target_semaphore(%arg9 : memref<!tpu.dma_semaphore, #tpu.memory_space<semaphore_mem>>)
    %scan3A = arith.constant 0 : i32
    %scan3A_17 = arith.constant 0 : i32
    %scan3A_18 = arith.constant 142 : i32
    %scan3A_19 = arith.addi %scan3A_17, %scan3A_18 : i32
    %scan3A_20 = arith.constant 1 : i32
    %scan3A_21 = scf.for %scan3A_38 = %scan3A_17 to %scan3A_19 step %scan3A_20 iter_args(%scan3A_39 = %scan3A) -> (i32)  : i32 {
      %mul3A_40 = arith.constant 32 : i32
      %mul3A_41 = arith.muli %scan3A_38, %mul3A_40 : i32
      %add3A_42 = arith.addi %add3A, %mul3A_41 : i32
      %lt3A_43 = arith.constant 4531 : i32
      %lt3A_44 = arith.cmpi slt, %add3A_42, %lt3A_43 : i32
      %add3A_45 = arith.constant 1 : i32
      %add3A_46 = arith.addi %scan3A_38, %add3A_45 : i32
      %mul3A_47 = arith.constant 32 : i32
      %mul3A_48 = arith.muli %add3A_46, %mul3A_47 : i32
      %add3A_49 = arith.addi %add3A, %mul3A_48 : i32
      %lt3A_50 = arith.constant 4531 : i32
      %lt3A_51 = arith.cmpi slt, %add3A_49, %lt3A_50 : i32
      %convert_element_type3A_52 = arith.extui %lt3A_51 : i1 to i32
      %cond3A_53 = arith.constant 0 : i32
      %cond3A_54 = arith.cmpi ne, %convert_element_type3A_52, %cond3A_53 : i32
      scf.if %cond3A_54 {
        %add3A_59 = arith.constant 1 : i32
        %add3A_60 = arith.addi %scan3A_38, %add3A_59 : i32
        %sub3A_61 = arith.constant 1 : i32
        %sub3A_62 = arith.subi %sub3A_61, %scan3A_39 : i32
        %mul3A_63 = arith.constant 32 : i32
        %mul3A_64 = arith.muli %add3A_60, %mul3A_63 : i32
        %add3A_65 = arith.addi %add3A, %mul3A_64 : i32
        %mul3A_66 = arith.constant 128 : i32
        %mul3A_67 = arith.muli %add3A_65, %mul3A_66 : i32
        %multiple_of3A_68 = tpu.assume_multiple %mul3A_67, 128 : i32
        %dma_start3A_69 = arith.constant 0 : i32
        %dma_start3A_70 = arith.constant 0 : i32
        %dma_start3A_71 = tpu.memref_slice %arg5[%sub3A_62, %dma_start3A_69, %dma_start3A_70] : memref<2x32x128xf32, #tpu.memory_space<vmem>> -> memref<1x32x128xf32, #tpu.memory_space<vmem>>
        %dma_start3A_72 = tpu.memref_squeeze %dma_start3A_71 : memref<1x32x128xf32, #tpu.memory_space<vmem>> -> memref<32x128xf32, #tpu.memory_space<vmem>>
        %dma_start3A_73 = arith.constant 0 : i32
        %dma_start3A_74 = tpu.memref_slice %arg2[%dma_start3A_73, %multiple_of3A_68] : memref<32x580000xf32, #tpu.memory_space<hbm>> -> memref<32x128xf32, #tpu.memory_space<hbm>>
        %dma_start3A_75 = arith.constant 0 : i32
        %dma_start3A_76 = arith.constant 0 : i32
        %dma_start3A_77 = tpu.memref_slice %arg5[%sub3A_62, %dma_start3A_75, %dma_start3A_76] : memref<2x32x128xf32, #tpu.memory_space<vmem>> -> memref<1x32x128xf32, #tpu.memory_space<vmem>>
        %dma_start3A_78 = tpu.memref_squeeze %dma_start3A_77 : memref<1x32x128xf32, #tpu.memory_space<vmem>> -> memref<32x128xf32, #tpu.memory_space<vmem>>
        %dma_start3A_79 = arith.constant 0 : i32
        %dma_start3A_80 = tpu.memref_slice %arg2[%dma_start3A_79, %multiple_of3A_68] : memref<32x580000xf32, #tpu.memory_space<hbm>> -> memref<32x128xf32, #tpu.memory_space<hbm>>
        tpu.enqueue_dma source(%dma_start3A_80 : memref<32x128xf32, #tpu.memory_space<hbm>>) target(%dma_start3A_78 : memref<32x128xf32, #tpu.memory_space<vmem>>) target_semaphore(%arg9 : memref<!tpu.dma_semaphore, #tpu.memory_space<semaphore_mem>>)
      } else {
      }
      %convert_element_type3A_55 = arith.extui %lt3A_44 : i1 to i32
      %cond3A_56 = arith.constant 0 : i32
      %cond3A_57 = arith.cmpi ne, %convert_element_type3A_55, %cond3A_56 : i32
      scf.if %cond3A_57 {
        %mul3A_59 = arith.constant 32 : i32
        %mul3A_60 = arith.muli %scan3A_38, %mul3A_59 : i32
        %add3A_61 = arith.addi %add3A, %mul3A_60 : i32
        %mul3A_62 = arith.constant 128 : i32
        %mul3A_63 = arith.muli %add3A_61, %mul3A_62 : i32
        %multiple_of3A_64 = tpu.assume_multiple %mul3A_63, 128 : i32
        %dma_wait3A = arith.constant 0 : i32
        %dma_wait3A_65 = arith.constant 0 : i32
        %dma_wait3A_66 = tpu.memref_slice %arg5[%scan3A_39, %dma_wait3A, %dma_wait3A_65] : memref<2x32x128xf32, #tpu.memory_space<vmem>> -> memref<1x32x128xf32, #tpu.memory_space<vmem>>
        %dma_wait3A_67 = tpu.memref_squeeze %dma_wait3A_66 : memref<1x32x128xf32, #tpu.memory_space<vmem>> -> memref<32x128xf32, #tpu.memory_space<vmem>>
        %dma_wait3A_68 = arith.constant 0 : i32
        %dma_wait3A_69 = tpu.memref_slice %arg2[%dma_wait3A_68, %multiple_of3A_64] : memref<32x580000xf32, #tpu.memory_space<hbm>> -> memref<32x128xf32, #tpu.memory_space<hbm>>
        %dma_wait3A_70 = arith.constant 0 : i32
        %dma_wait3A_71 = arith.constant 0 : i32
        %dma_wait3A_72 = tpu.memref_slice %arg5[%scan3A_39, %dma_wait3A_70, %dma_wait3A_71] : memref<2x32x128xf32, #tpu.memory_space<vmem>> -> memref<1x32x128xf32, #tpu.memory_space<vmem>>
        %dma_wait3A_73 = tpu.memref_squeeze %dma_wait3A_72 : memref<1x32x128xf32, #tpu.memory_space<vmem>> -> memref<32x128xf32, #tpu.memory_space<vmem>>
        %dma_wait3A_74 = arith.constant 0 : i32
        %dma_wait3A_75 = tpu.memref_slice %arg2[%dma_wait3A_74, %multiple_of3A_64] : memref<32x580000xf32, #tpu.memory_space<hbm>> -> memref<32x128xf32, #tpu.memory_space<hbm>>
        tpu.wait_dma2 semaphore(%arg9 : memref<!tpu.dma_semaphore, #tpu.memory_space<semaphore_mem>>) src(%dma_wait3A_75 : memref<32x128xf32, #tpu.memory_space<hbm>>) dst(%dma_wait3A_73 : memref<32x128xf32, #tpu.memory_space<vmem>>)
        %ge3A = arith.constant 2 : i32
        %ge3A_76 = arith.cmpi sge, %scan3A_38, %ge3A : i32
        %convert_element_type3A_77 = arith.extui %ge3A_76 : i1 to i32
        %cond3A_78 = arith.constant 0 : i32
        %cond3A_79 = arith.cmpi ne, %convert_element_type3A_77, %cond3A_78 : i32
        scf.if %cond3A_79 {
          %sub3A_96 = arith.constant 2 : i32
          %sub3A_97 = arith.subi %scan3A_38, %sub3A_96 : i32
          %mul3A_98 = arith.constant 32 : i32
          %mul3A_99 = arith.muli %sub3A_97, %mul3A_98 : i32
          %add3A_100 = arith.addi %add3A, %mul3A_99 : i32
          %mul3A_101 = arith.constant 4096 : i32
          %mul3A_102 = arith.muli %add3A_100, %mul3A_101 : i32
          %multiple_of3A_103 = tpu.assume_multiple %mul3A_102, 4096 : i32
          %dma_wait3A_104 = arith.constant 0 : i32
          %dma_wait3A_105 = tpu.memref_slice %arg6[%scan3A_39, %dma_wait3A_104] : memref<2x4096xf32, #tpu.memory_space<vmem>> -> memref<1x4096xf32, #tpu.memory_space<vmem>>
          %dma_wait3A_106 = tpu.memref_squeeze %dma_wait3A_105 : memref<1x4096xf32, #tpu.memory_space<vmem>> -> memref<4096xf32, #tpu.memory_space<vmem>>
          %dma_wait3A_107 = tpu.memref_slice %arg4[%multiple_of3A_103] : memref<18560000xf32, #tpu.memory_space<hbm>> -> memref<4096xf32, #tpu.memory_space<hbm>>
          %dma_wait3A_108 = tpu.memref_slice %arg4[%multiple_of3A_103] : memref<18560000xf32, #tpu.memory_space<hbm>> -> memref<4096xf32, #tpu.memory_space<hbm>>
          %dma_wait3A_109 = arith.constant 0 : i32
          %dma_wait3A_110 = tpu.memref_slice %arg6[%scan3A_39, %dma_wait3A_109] : memref<2x4096xf32, #tpu.memory_space<vmem>> -> memref<1x4096xf32, #tpu.memory_space<vmem>>
          %dma_wait3A_111 = tpu.memref_squeeze %dma_wait3A_110 : memref<1x4096xf32, #tpu.memory_space<vmem>> -> memref<4096xf32, #tpu.memory_space<vmem>>
          tpu.wait_dma2 semaphore(%arg10 : memref<!tpu.dma_semaphore, #tpu.memory_space<semaphore_mem>>) src(%dma_wait3A_111 : memref<4096xf32, #tpu.memory_space<vmem>>) dst(%dma_wait3A_108 : memref<4096xf32, #tpu.memory_space<hbm>>)
        } else {
        }
        %parallel_loop3A = arith.constant 0 : i32
        %parallel_loop3A_80 = arith.constant 256 : i32
        %parallel_loop3A_81 = arith.constant 1 : i32
        scf.for %parallel_loop3A_96 = %parallel_loop3A to %parallel_loop3A_80 step %parallel_loop3A_81  : i32 {
          %parallel_loop3A_97 = arith.constant 3 : i32
          %parallel_loop3A_98 = arith.shrsi %parallel_loop3A_96, %parallel_loop3A_97 : i32
          %parallel_loop3A_99 = arith.constant 7 : i32
          %parallel_loop3A_100 = arith.andi %parallel_loop3A_96, %parallel_loop3A_99 : i32
          %parallel_loop3A_101 = arith.constant 16 : i32
          %parallel_loop3A_102 = arith.muli %parallel_loop3A_100, %parallel_loop3A_101 : i32
          %parallel_loop3A_103 = arith.index_cast %scan3A_39 : i32 to index
          %parallel_loop3A_104 = arith.index_cast %parallel_loop3A_98 : i32 to index
          %parallel_loop3A_105 = arith.index_cast %parallel_loop3A_102 : i32 to index
          %parallel_loop3A_106 = tpu.vector_load %arg5[%parallel_loop3A_103, %parallel_loop3A_104, %parallel_loop3A_105] {strides = array<i32>} : memref<2x32x128xf32, #tpu.memory_space<vmem>>, vector<16xf32>,
          %parallel_loop3A_107 = vector.broadcast %parallel_loop3A_102 : i32 to vector<16xi32>
          %parallel_loop3A_108 = arith.addi %parallel_loop3A_107, %iota3A : vector<16xi32>
          %parallel_loop3A_109 = arith.constant 33 : i32
          %parallel_loop3A_110 = vector.broadcast %parallel_loop3A_109 : i32 to vector<16xi32>
          %parallel_loop3A_111 = arith.muli %parallel_loop3A_108, %parallel_loop3A_110 : vector<16xi32>
          %parallel_loop3A_112 = vector.broadcast %parallel_loop3A_98 : i32 to vector<16xi32>
          %parallel_loop3A_113 = arith.addi %parallel_loop3A_111, %parallel_loop3A_112 : vector<16xi32>
          tpu.vector_store_idx %arg7[%parallel_loop3A_113], %parallel_loop3A_106 : memref<4224xf32, #tpu.memory_space<vmem>>[vector<16xi32>], vector<16xf32>,
        } {sc.loop_unroll_factor = 2 : i64, sc.parallel_access}
        %parallel_loop3A_82 = arith.constant 0 : i32
        %parallel_loop3A_83 = arith.constant 128 : i32
        %parallel_loop3A_84 = arith.constant 1 : i32
        scf.for %parallel_loop3A_96 = %parallel_loop3A_82 to %parallel_loop3A_83 step %parallel_loop3A_84  : i32 {
          %parallel_loop3A_97 = arith.constant 33 : i32
          %parallel_loop3A_98 = arith.muli %parallel_loop3A_96, %parallel_loop3A_97 : i32
          %parallel_loop3A_99 = arith.constant 0 : i32
          %parallel_loop3A_100 = arith.addi %parallel_loop3A_98, %parallel_loop3A_99 : i32
          %parallel_loop3A_101 = arith.index_cast %parallel_loop3A_100 : i32 to index
          %parallel_loop3A_102 = tpu.vector_load %arg7[%parallel_loop3A_101] {strides = array<i32>} : memref<4224xf32, #tpu.memory_space<vmem>>, vector<16xf32>,
          %parallel_loop3A_103 = arith.constant 32 : i32
          %parallel_loop3A_104 = arith.muli %parallel_loop3A_96, %parallel_loop3A_103 : i32
          %parallel_loop3A_105 = arith.constant 0 : i32
          %parallel_loop3A_106 = arith.addi %parallel_loop3A_104, %parallel_loop3A_105 : i32
          %parallel_loop3A_107 = arith.index_cast %scan3A_39 : i32 to index
          %parallel_loop3A_108 = arith.index_cast %parallel_loop3A_106 : i32 to index
          %parallel_loop3A_109 = tpu.vector_load %arg6[%parallel_loop3A_107, %parallel_loop3A_108] {strides = array<i32>} : memref<2x4096xf32, #tpu.memory_space<vmem>>, vector<16xf32>,
          tpu.vector_store %arg6[%parallel_loop3A_107, %parallel_loop3A_108], %parallel_loop3A_102 {strides = array<i32>} : memref<2x4096xf32, #tpu.memory_space<vmem>>, vector<16xf32>,
          %parallel_loop3A_110 = arith.constant 33 : i32
          %parallel_loop3A_111 = arith.muli %parallel_loop3A_96, %parallel_loop3A_110 : i32
          %parallel_loop3A_112 = arith.constant 16 : i32
          %parallel_loop3A_113 = arith.addi %parallel_loop3A_111, %parallel_loop3A_112 : i32
          %parallel_loop3A_114 = arith.index_cast %parallel_loop3A_113 : i32 to index
          %parallel_loop3A_115 = tpu.vector_load %arg7[%parallel_loop3A_114] {strides = array<i32>} : memref<4224xf32, #tpu.memory_space<vmem>>, vector<16xf32>,
          %parallel_loop3A_116 = arith.constant 32 : i32
          %parallel_loop3A_117 = arith.muli %parallel_loop3A_96, %parallel_loop3A_116 : i32
          %parallel_loop3A_118 = arith.constant 16 : i32
          %parallel_loop3A_119 = arith.addi %parallel_loop3A_117, %parallel_loop3A_118 : i32
          %parallel_loop3A_120 = arith.index_cast %scan3A_39 : i32 to index
          %parallel_loop3A_121 = arith.index_cast %parallel_loop3A_119 : i32 to index
          %parallel_loop3A_122 = tpu.vector_load %arg6[%parallel_loop3A_120, %parallel_loop3A_121] {strides = array<i32>} : memref<2x4096xf32, #tpu.memory_space<vmem>>, vector<16xf32>,
          tpu.vector_store %arg6[%parallel_loop3A_120, %parallel_loop3A_121], %parallel_loop3A_115 {strides = array<i32>} : memref<2x4096xf32, #tpu.memory_space<vmem>>, vector<16xf32>,
        } {sc.loop_unroll_factor = 2 : i64, sc.parallel_access}
        %mul3A_85 = arith.constant 4096 : i32
        %mul3A_86 = arith.muli %add3A_42, %mul3A_85 : i32
        %multiple_of3A_87 = tpu.assume_multiple %mul3A_86, 4096 : i32
        %dma_start3A_88 = arith.constant 0 : i32
        %dma_start3A_89 = tpu.memref_slice %arg6[%scan3A_39, %dma_start3A_88] : memref<2x4096xf32, #tpu.memory_space<vmem>> -> memref<1x4096xf32, #tpu.memory_space<vmem>>
        %dma_start3A_90 = tpu.memref_squeeze %dma_start3A_89 : memref<1x4096xf32, #tpu.memory_space<vmem>> -> memref<4096xf32, #tpu.memory_space<vmem>>
        %dma_start3A_91 = tpu.memref_slice %arg4[%multiple_of3A_87] : memref<18560000xf32, #tpu.memory_space<hbm>> -> memref<4096xf32, #tpu.memory_space<hbm>>
        %dma_start3A_92 = tpu.memref_slice %arg4[%multiple_of3A_87] : memref<18560000xf32, #tpu.memory_space<hbm>> -> memref<4096xf32, #tpu.memory_space<hbm>>
        %dma_start3A_93 = arith.constant 0 : i32
        %dma_start3A_94 = tpu.memref_slice %arg6[%scan3A_39, %dma_start3A_93] : memref<2x4096xf32, #tpu.memory_space<vmem>> -> memref<1x4096xf32, #tpu.memory_space<vmem>>
        %dma_start3A_95 = tpu.memref_squeeze %dma_start3A_94 : memref<1x4096xf32, #tpu.memory_space<vmem>> -> memref<4096xf32, #tpu.memory_space<vmem>>
        tpu.enqueue_dma source(%dma_start3A_95 : memref<4096xf32, #tpu.memory_space<vmem>>) target(%dma_start3A_92 : memref<4096xf32, #tpu.memory_space<hbm>>) target_semaphore(%arg10 : memref<!tpu.dma_semaphore, #tpu.memory_space<semaphore_mem>>)
      } else {
      }
      %sub3A = arith.constant 1 : i32
      %sub3A_58 = arith.subi %sub3A, %scan3A_39 : i32
      scf.yield %sub3A_58 : i32
    }
    %scan3A_22 = arith.constant 142 : i32
    %add3A_23 = arith.constant 4480 : i32
    %add3A_24 = arith.addi %add3A, %add3A_23 : i32
    %lt3A = arith.constant 4531 : i32
    %lt3A_25 = arith.cmpi slt, %add3A_24, %lt3A : i32
    %convert_element_type3A = arith.extui %lt3A_25 : i1 to i32
    %cond3A = arith.constant 0 : i32
    %cond3A_26 = arith.cmpi ne, %convert_element_type3A, %cond3A : i32
    scf.if %cond3A_26 {
      %mul3A_38 = arith.constant 4096 : i32
      %mul3A_39 = arith.muli %add3A_24, %mul3A_38 : i32
      %multiple_of3A_40 = tpu.assume_multiple %mul3A_39, 4096 : i32
      %dma_wait3A = arith.constant 0 : i32
      %dma_wait3A_41 = arith.constant 0 : i32
      %dma_wait3A_42 = tpu.memref_slice %arg6[%dma_wait3A, %dma_wait3A_41] : memref<2x4096xf32, #tpu.memory_space<vmem>> -> memref<1x4096xf32, #tpu.memory_space<vmem>>
      %dma_wait3A_43 = tpu.memref_squeeze %dma_wait3A_42 : memref<1x4096xf32, #tpu.memory_space<vmem>> -> memref<4096xf32, #tpu.memory_space<vmem>>
      %dma_wait3A_44 = tpu.memref_slice %arg4[%multiple_of3A_40] : memref<18560000xf32, #tpu.memory_space<hbm>> -> memref<4096xf32, #tpu.memory_space<hbm>>
      %dma_wait3A_45 = tpu.memref_slice %arg4[%multiple_of3A_40] : memref<18560000xf32, #tpu.memory_space<hbm>> -> memref<4096xf32, #tpu.memory_space<hbm>>
      %dma_wait3A_46 = arith.constant 0 : i32
      %dma_wait3A_47 = tpu.memref_slice %arg6[%dma_wait3A, %dma_wait3A_46] : memref<2x4096xf32, #tpu.memory_space<vmem>> -> memref<1x4096xf32, #tpu.memory_space<vmem>>
      %dma_wait3A_48 = tpu.memref_squeeze %dma_wait3A_47 : memref<1x4096xf32, #tpu.memory_space<vmem>> -> memref<4096xf32, #tpu.memory_space<vmem>>
      tpu.wait_dma2 semaphore(%arg10 : memref<!tpu.dma_semaphore, #tpu.memory_space<semaphore_mem>>) src(%dma_wait3A_48 : memref<4096xf32, #tpu.memory_space<vmem>>) dst(%dma_wait3A_45 : memref<4096xf32, #tpu.memory_space<hbm>>)
    } else {
    }
    %add3A_27 = arith.constant 4512 : i32
    %add3A_28 = arith.addi %add3A, %add3A_27 : i32
    %lt3A_29 = arith.constant 4531 : i32
    %lt3A_30 = arith.cmpi slt, %add3A_28, %lt3A_29 : i32
    %convert_element_type3A_31 = arith.extui %lt3A_30 : i1 to i32
    %cond3A_32 = arith.constant 0 : i32
    %cond3A_33 = arith.cmpi ne, %convert_element_type3A_31, %cond3A_32 : i32
    scf.if %cond3A_33 {
      %mul3A_38 = arith.constant 4096 : i32
      %mul3A_39 = arith.muli %add3A_28, %mul3A_38 : i32
      %multiple_of3A_40 = tpu.assume_multiple %mul3A_39, 4096 : i32
      %dma_wait3A = arith.constant 1 : i32
      %dma_wait3A_41 = arith.constant 0 : i32
      %dma_wait3A_42 = tpu.memref_slice %arg6[%dma_wait3A, %dma_wait3A_41] : memref<2x4096xf32, #tpu.memory_space<vmem>> -> memref<1x4096xf32, #tpu.memory_space<vmem>>
      %dma_wait3A_43 = tpu.memref_squeeze %dma_wait3A_42 : memref<1x4096xf32, #tpu.memory_space<vmem>> -> memref<4096xf32, #tpu.memory_space<vmem>>
      %dma_wait3A_44 = tpu.memref_slice %arg4[%multiple_of3A_40] : memref<18560000xf32, #tpu.memory_space<hbm>> -> memref<4096xf32, #tpu.memory_space<hbm>>
      %dma_wait3A_45 = tpu.memref_slice %arg4[%multiple_of3A_40] : memref<18560000xf32, #tpu.memory_space<hbm>> -> memref<4096xf32, #tpu.memory_space<hbm>>
      %dma_wait3A_46 = arith.constant 0 : i32
      %dma_wait3A_47 = tpu.memref_slice %arg6[%dma_wait3A, %dma_wait3A_46] : memref<2x4096xf32, #tpu.memory_space<vmem>> -> memref<1x4096xf32, #tpu.memory_space<vmem>>
      %dma_wait3A_48 = tpu.memref_squeeze %dma_wait3A_47 : memref<1x4096xf32, #tpu.memory_space<vmem>> -> memref<4096xf32, #tpu.memory_space<vmem>>
      tpu.wait_dma2 semaphore(%arg10 : memref<!tpu.dma_semaphore, #tpu.memory_space<semaphore_mem>>) src(%dma_wait3A_48 : memref<4096xf32, #tpu.memory_space<vmem>>) dst(%dma_wait3A_45 : memref<4096xf32, #tpu.memory_space<hbm>>)
    } else {
    }
    %eq3A = arith.constant 0 : i32
    %eq3A_34 = arith.cmpi eq, %add3A, %eq3A : i32
    %convert_element_type3A_35 = arith.extui %eq3A_34 : i1 to i32
    %cond3A_36 = arith.constant 0 : i32
    %cond3A_37 = arith.cmpi ne, %convert_element_type3A_35, %cond3A_36 : i32
    scf.if %cond3A_37 {
      "tpu.region"() ({
        %run_scoped3A = tpu.sem_alloc : memref<!tpu.dma_semaphore, #tpu.memory_space<semaphore_mem>>
        tpu.enqueue_dma source(%arg3 : memref<1024xf32, #tpu.memory_space<hbm>>) target(%arg8 : memref<1024xf32, #tpu.memory_space<vmem>>) target_semaphore(%run_scoped3A : memref<!tpu.dma_semaphore, #tpu.memory_space<semaphore_mem>>)
        tpu.wait_dma2 semaphore(%run_scoped3A : memref<!tpu.dma_semaphore, #tpu.memory_space<semaphore_mem>>) src(%arg3 : memref<1024xf32, #tpu.memory_space<hbm>>) dst(%arg8 : memref<1024xf32, #tpu.memory_space<vmem>>)
        tpu.yield
      }) : () -> ()
      %multiple_of3A_38 = arith.constant 18558976 : i32
      %multiple_of3A_39 = tpu.assume_multiple %multiple_of3A_38, 4096 : i32
      "tpu.region"() ({
        %run_scoped3A = tpu.sem_alloc : memref<!tpu.dma_semaphore, #tpu.memory_space<semaphore_mem>>
        %dma_start3A_40 = tpu.memref_slice %arg4[%multiple_of3A_39] : memref<18560000xf32, #tpu.memory_space<hbm>> -> memref<1024xf32, #tpu.memory_space<hbm>>
        %dma_start3A_41 = tpu.memref_slice %arg4[%multiple_of3A_39] : memref<18560000xf32, #tpu.memory_space<hbm>> -> memref<1024xf32, #tpu.memory_space<hbm>>
        tpu.enqueue_dma source(%arg8 : memref<1024xf32, #tpu.memory_space<vmem>>) target(%dma_start3A_41 : memref<1024xf32, #tpu.memory_space<hbm>>) target_semaphore(%run_scoped3A : memref<!tpu.dma_semaphore, #tpu.memory_space<semaphore_mem>>)
        %dma_wait3A = tpu.memref_slice %arg4[%multiple_of3A_39] : memref<18560000xf32, #tpu.memory_space<hbm>> -> memref<1024xf32, #tpu.memory_space<hbm>>
        %dma_wait3A_42 = tpu.memref_slice %arg4[%multiple_of3A_39] : memref<18560000xf32, #tpu.memory_space<hbm>> -> memref<1024xf32, #tpu.memory_space<hbm>>
        tpu.wait_dma2 semaphore(%run_scoped3A : memref<!tpu.dma_semaphore, #tpu.memory_space<semaphore_mem>>) src(%arg8 : memref<1024xf32, #tpu.memory_space<vmem>>) dst(%dma_wait3A_42 : memref<1024xf32, #tpu.memory_space<hbm>>)
        tpu.yield
      }) : () -> ()
    } else {
    }
    return
  }
}

#map = affine_map<(d0, d1) -> (0, 0)>
module attributes {stable_mosaic.version = 14 : i64} {
  func.func @_sc_gather(%arg0: i32, %arg1: i32, %arg2: memref<26x16384xi32, #tpu.memory_space<hbm>>, %arg3: memref<580000x32xf32, #tpu.memory_space<hbm>>, %arg4: memref<114688x128xf32, #tpu.memory_space<hbm>>, %arg5: memref<26x512xi32, #tpu.memory_space<vmem>>, %arg6: memref<112x128xi32, #tpu.memory_space<vmem>>, %arg7: memref<2x512x32xf32, #tpu.memory_space<vmem>>, %arg8: memref<2x128x128xf32, #tpu.memory_space<vmem>>, %arg9: memref<!tpu.dma_semaphore, #tpu.memory_space<semaphore_mem>>, %arg10: memref<!tpu.dma_semaphore, #tpu.memory_space<semaphore_mem>>) attributes {dimension_semantics = [#tpu.dimension_semantics<core_parallel>, #tpu.dimension_semantics<subcore_parallel>], iteration_bounds = array<i64: 2, 16>, scalar_prefetch = 0 : i64, scratch_operands = 6 : i64, tpu.core_type = #tpu.core_type<sc_vector_subcore>, window_params = [{transform_indices = #map}, {transform_indices = #map}, {transform_indices = #map}]} {
    %mul3A = arith.constant 2 : i32
    %mul3A_0 = arith.muli %arg1, %mul3A : i32
    %add3A = arith.addi %mul3A_0, %arg0 : i32
    %mul3A_1 = arith.constant 3584 : i32
    %mul3A_2 = arith.muli %add3A, %mul3A_1 : i32
    %mul3A_3 = arith.constant 512 : i32
    %mul3A_4 = arith.muli %add3A, %mul3A_3 : i32
    "tpu.region"() ({
      %run_scoped3A = tpu.sem_alloc : memref<!tpu.dma_semaphore, #tpu.memory_space<semaphore_mem>>
      %dma_start3A_90 = arith.constant 0 : i32
      %dma_start3A_91 = tpu.memref_slice %arg2[%dma_start3A_90, %mul3A_4] : memref<26x16384xi32, #tpu.memory_space<hbm>> -> memref<26x512xi32, #tpu.memory_space<hbm>>
      %dma_start3A_92 = arith.constant 0 : i32
      %dma_start3A_93 = tpu.memref_slice %arg2[%dma_start3A_92, %mul3A_4] : memref<26x16384xi32, #tpu.memory_space<hbm>> -> memref<26x512xi32, #tpu.memory_space<hbm>>
      tpu.enqueue_dma source(%dma_start3A_93 : memref<26x512xi32, #tpu.memory_space<hbm>>) target(%arg5 : memref<26x512xi32, #tpu.memory_space<vmem>>) target_semaphore(%run_scoped3A : memref<!tpu.dma_semaphore, #tpu.memory_space<semaphore_mem>>)
      %dma_wait3A_94 = arith.constant 0 : i32
      %dma_wait3A_95 = tpu.memref_slice %arg2[%dma_wait3A_94, %mul3A_4] : memref<26x16384xi32, #tpu.memory_space<hbm>> -> memref<26x512xi32, #tpu.memory_space<hbm>>
      %dma_wait3A_96 = arith.constant 0 : i32
      %dma_wait3A_97 = tpu.memref_slice %arg2[%dma_wait3A_96, %mul3A_4] : memref<26x16384xi32, #tpu.memory_space<hbm>> -> memref<26x512xi32, #tpu.memory_space<hbm>>
      tpu.wait_dma2 semaphore(%run_scoped3A : memref<!tpu.dma_semaphore, #tpu.memory_space<semaphore_mem>>) src(%dma_wait3A_97 : memref<26x512xi32, #tpu.memory_space<hbm>>) dst(%arg5 : memref<26x512xi32, #tpu.memory_space<vmem>>)
      tpu.yield
    }) : () -> ()
    %iota3A = tpu.iota {dimensions = array<i32: 0>} : vector<16xi32>
    %parallel_loop3A = arith.constant 0 : i32
    %parallel_loop3A_5 = arith.constant 896 : i32
    %parallel_loop3A_6 = arith.constant 1 : i32
    scf.for %parallel_loop3A_90 = %parallel_loop3A to %parallel_loop3A_5 step %parallel_loop3A_6  : i32 {
      %parallel_loop3A_91 = arith.constant 14 : i32
      %parallel_loop3A_92 = arith.divsi %parallel_loop3A_90, %parallel_loop3A_91 : i32
      %parallel_loop3A_93 = arith.constant 0 : i32
      %parallel_loop3A_94 = arith.cmpi sgt, %parallel_loop3A_90, %parallel_loop3A_93 : i32
      %parallel_loop3A_95 = arith.extui %parallel_loop3A_94 : i1 to i32
      %parallel_loop3A_96 = arith.constant 0 : i32
      %parallel_loop3A_97 = arith.cmpi slt, %parallel_loop3A_90, %parallel_loop3A_96 : i32
      %parallel_loop3A_98 = arith.extui %parallel_loop3A_97 : i1 to i32
      %parallel_loop3A_99 = arith.subi %parallel_loop3A_95, %parallel_loop3A_98 : i32
      %parallel_loop3A_100 = arith.constant 0 : i32
      %parallel_loop3A_101 = arith.cmpi sgt, %parallel_loop3A_91, %parallel_loop3A_100 : i32
      %parallel_loop3A_102 = arith.extui %parallel_loop3A_101 : i1 to i32
      %parallel_loop3A_103 = arith.constant 0 : i32
      %parallel_loop3A_104 = arith.cmpi slt, %parallel_loop3A_91, %parallel_loop3A_103 : i32
      %parallel_loop3A_105 = arith.extui %parallel_loop3A_104 : i1 to i32
      %parallel_loop3A_106 = arith.subi %parallel_loop3A_102, %parallel_loop3A_105 : i32
      %parallel_loop3A_107 = arith.cmpi ne, %parallel_loop3A_99, %parallel_loop3A_106 : i32
      %parallel_loop3A_108 = arith.remsi %parallel_loop3A_90, %parallel_loop3A_91 : i32
      %parallel_loop3A_109 = arith.constant 0 : i32
      %parallel_loop3A_110 = arith.cmpi ne, %parallel_loop3A_108, %parallel_loop3A_109 : i32
      %parallel_loop3A_111 = arith.andi %parallel_loop3A_107, %parallel_loop3A_110 : i1
      %parallel_loop3A_112 = arith.constant 1 : i32
      %parallel_loop3A_113 = arith.subi %parallel_loop3A_92, %parallel_loop3A_112 : i32
      %parallel_loop3A_114 = arith.select %parallel_loop3A_111, %parallel_loop3A_113, %parallel_loop3A_92 : i32
      %parallel_loop3A_115 = arith.constant 14 : i32
      %parallel_loop3A_116 = arith.constant 0 : i32
      %parallel_loop3A_117 = arith.cmpi eq, %parallel_loop3A_115, %parallel_loop3A_116 : i32
      %parallel_loop3A_118 = arith.constant 1 : i32
      %parallel_loop3A_119 = arith.select %parallel_loop3A_117, %parallel_loop3A_118, %parallel_loop3A_115 : i32
      %parallel_loop3A_120 = arith.remsi %parallel_loop3A_90, %parallel_loop3A_119 : i32
      %parallel_loop3A_121 = arith.constant 0 : i32
      %parallel_loop3A_122 = arith.cmpi ne, %parallel_loop3A_120, %parallel_loop3A_121 : i32
      %parallel_loop3A_123 = arith.constant 0 : i32
      %parallel_loop3A_124 = arith.cmpi slt, %parallel_loop3A_120, %parallel_loop3A_123 : i32
      %parallel_loop3A_125 = arith.constant 0 : i32
      %parallel_loop3A_126 = arith.cmpi slt, %parallel_loop3A_119, %parallel_loop3A_125 : i32
      %parallel_loop3A_127 = arith.xori %parallel_loop3A_124, %parallel_loop3A_126 : i1
      %parallel_loop3A_128 = arith.andi %parallel_loop3A_127, %parallel_loop3A_122 : i1
      %parallel_loop3A_129 = arith.addi %parallel_loop3A_120, %parallel_loop3A_119 : i32
      %parallel_loop3A_130 = arith.select %parallel_loop3A_128, %parallel_loop3A_129, %parallel_loop3A_120 : i32
      %parallel_loop3A_131 = arith.constant 16 : i32
      %parallel_loop3A_132 = arith.muli %parallel_loop3A_130, %parallel_loop3A_131 : i32
      %parallel_loop3A_133 = vector.broadcast %parallel_loop3A_132 : i32 to vector<16xi32>
      %parallel_loop3A_134 = arith.addi %parallel_loop3A_133, %iota3A : vector<16xi32>
      %parallel_loop3A_135 = arith.constant 5 : i32
      %parallel_loop3A_136 = vector.broadcast %parallel_loop3A_135 : i32 to vector<16xi32>
      %parallel_loop3A_137 = arith.shrsi %parallel_loop3A_134, %parallel_loop3A_136 : vector<16xi32>
      %parallel_loop3A_138 = arith.constant 2 : i32
      %parallel_loop3A_139 = vector.broadcast %parallel_loop3A_138 : i32 to vector<16xi32>
      %parallel_loop3A_140 = arith.shrsi %parallel_loop3A_134, %parallel_loop3A_139 : vector<16xi32>
      %parallel_loop3A_141 = arith.constant 7 : i32
      %parallel_loop3A_142 = vector.broadcast %parallel_loop3A_141 : i32 to vector<16xi32>
      %parallel_loop3A_143 = arith.andi %parallel_loop3A_140, %parallel_loop3A_142 : vector<16xi32>
      %parallel_loop3A_144 = arith.constant 3 : i32
      %parallel_loop3A_145 = vector.broadcast %parallel_loop3A_144 : i32 to vector<16xi32>
      %parallel_loop3A_146 = arith.andi %parallel_loop3A_134, %parallel_loop3A_145 : vector<16xi32>
      %parallel_loop3A_147 = arith.constant 6 : i32
      %parallel_loop3A_148 = vector.broadcast %parallel_loop3A_147 : i32 to vector<16xi32>
      %parallel_loop3A_149 = arith.cmpi eq, %parallel_loop3A_137, %parallel_loop3A_148 : vector<16xi32>
      %parallel_loop3A_150 = arith.constant 2 : i32
      %parallel_loop3A_151 = vector.broadcast %parallel_loop3A_150 : i32 to vector<16xi32>
      %parallel_loop3A_152 = arith.cmpi sge, %parallel_loop3A_146, %parallel_loop3A_151 : vector<16xi32>
      %parallel_loop3A_153 = arith.andi %parallel_loop3A_149, %parallel_loop3A_152 : vector<16xi1>
      %parallel_loop3A_154 = arith.constant 2 : i32
      %parallel_loop3A_155 = vector.broadcast %parallel_loop3A_154 : i32 to vector<16xi32>
      %parallel_loop3A_156 = arith.subi %parallel_loop3A_146, %parallel_loop3A_155 : vector<16xi32>
      %parallel_loop3A_157 = arith.constant 4 : i32
      %parallel_loop3A_158 = vector.broadcast %parallel_loop3A_157 : i32 to vector<16xi32>
      %parallel_loop3A_159 = arith.muli %parallel_loop3A_137, %parallel_loop3A_158 : vector<16xi32>
      %parallel_loop3A_160 = arith.addi %parallel_loop3A_159, %parallel_loop3A_146 : vector<16xi32>
      %parallel_loop3A_161 = arith.select %parallel_loop3A_153, %parallel_loop3A_156, %parallel_loop3A_160 : vector<16xi1>, vector<16xi32>
      %parallel_loop3A_162 = arith.constant 8 : i32
      %parallel_loop3A_163 = arith.muli %parallel_loop3A_114, %parallel_loop3A_162 : i32
      %parallel_loop3A_164 = vector.broadcast %parallel_loop3A_163 : i32 to vector<16xi32>
      %parallel_loop3A_165 = arith.addi %parallel_loop3A_164, %parallel_loop3A_143 : vector<16xi32>
      %parallel_loop3A_166 = tpu.vector_load_idx %arg5[%parallel_loop3A_161, %parallel_loop3A_165] : memref<26x512xi32, #tpu.memory_space<vmem>>[vector<16xi32>, vector<16xi32>], vector<16xi32>,
      %parallel_loop3A_167 = arith.constant 224 : i32
      %parallel_loop3A_168 = arith.muli %parallel_loop3A_114, %parallel_loop3A_167 : i32
      %parallel_loop3A_169 = vector.broadcast %parallel_loop3A_168 : i32 to vector<16xi32>
      %parallel_loop3A_170 = arith.addi %parallel_loop3A_169, %parallel_loop3A_134 : vector<16xi32>
      %parallel_loop3A_171 = arith.constant 9 : i32
      %parallel_loop3A_172 = vector.broadcast %parallel_loop3A_171 : i32 to vector<16xi32>
      %parallel_loop3A_173 = arith.shrsi %parallel_loop3A_170, %parallel_loop3A_172 : vector<16xi32>
      %parallel_loop3A_174 = arith.constant 2 : i32
      %parallel_loop3A_175 = vector.broadcast %parallel_loop3A_174 : i32 to vector<16xi32>
      %parallel_loop3A_176 = arith.shli %parallel_loop3A_173, %parallel_loop3A_175 : vector<16xi32>
      %parallel_loop3A_177 = arith.constant 3 : i32
      %parallel_loop3A_178 = vector.broadcast %parallel_loop3A_177 : i32 to vector<16xi32>
      %parallel_loop3A_179 = arith.andi %parallel_loop3A_170, %parallel_loop3A_178 : vector<16xi32>
      %parallel_loop3A_180 = arith.ori %parallel_loop3A_176, %parallel_loop3A_179 : vector<16xi32>
      %parallel_loop3A_181 = arith.constant 2 : i32
      %parallel_loop3A_182 = vector.broadcast %parallel_loop3A_181 : i32 to vector<16xi32>
      %parallel_loop3A_183 = arith.shrsi %parallel_loop3A_170, %parallel_loop3A_182 : vector<16xi32>
      %parallel_loop3A_184 = arith.constant 127 : i32
      %parallel_loop3A_185 = vector.broadcast %parallel_loop3A_184 : i32 to vector<16xi32>
      %parallel_loop3A_186 = arith.andi %parallel_loop3A_183, %parallel_loop3A_185 : vector<16xi32>
      tpu.vector_store_idx %arg6[%parallel_loop3A_180, %parallel_loop3A_186], %parallel_loop3A_166 : memref<112x128xi32, #tpu.memory_space<vmem>>[vector<16xi32>, vector<16xi32>], vector<16xi32>,
    } {sc.loop_unroll_factor = 2 : i64, sc.parallel_access}
    %dma_start3A = arith.constant 0 : i32
    %dma_start3A_7 = arith.constant 0 : i32
    %dma_start3A_8 = arith.constant 0 : i32
    %dma_start3A_9 = arith.constant 0 : i32
    %dma_start3A_10 = tpu.memref_slice %arg7[%dma_start3A_7, %dma_start3A_8, %dma_start3A_9] : memref<2x512x32xf32, #tpu.memory_space<vmem>> -> memref<1x128x32xf32, #tpu.memory_space<vmem>>
    %dma_start3A_11 = tpu.memref_squeeze %dma_start3A_10 : memref<1x128x32xf32, #tpu.memory_space<vmem>> -> memref<128x32xf32, #tpu.memory_space<vmem>>
    %dma_start3A_12 = arith.constant 0 : i32
    %dma_start3A_13 = tpu.memref_slice %arg6[%dma_start3A, %dma_start3A_12] : memref<112x128xi32, #tpu.memory_space<vmem>> -> memref<1x128xi32, #tpu.memory_space<vmem>>
    %dma_start3A_14 = tpu.memref_squeeze %dma_start3A_13 : memref<1x128xi32, #tpu.memory_space<vmem>> -> memref<128xi32, #tpu.memory_space<vmem>>
    %dma_start3A_15 = arith.constant 0 : i32
    %dma_start3A_16 = arith.constant 0 : i32
    %dma_start3A_17 = tpu.memref_slice %arg3[%dma_start3A_15, %dma_start3A_16] : memref<580000x32xf32, #tpu.memory_space<hbm>> -> memref<580000x32xf32, #tpu.memory_space<hbm>>
    tpu.enqueue_indirect_dma source(%dma_start3A_17 : memref<580000x32xf32, #tpu.memory_space<hbm>>) target(%dma_start3A_11 : memref<128x32xf32, #tpu.memory_space<vmem>>) offsets(%dma_start3A_14 : memref<128xi32, #tpu.memory_space<vmem>>) semaphore(%arg9 : memref<!tpu.dma_semaphore, #tpu.memory_space<semaphore_mem>>)
    %dma_start3A_18 = arith.constant 1 : i32
    %dma_start3A_19 = arith.constant 0 : i32
    %dma_start3A_20 = arith.constant 128 : i32
    %dma_start3A_21 = arith.constant 0 : i32
    %dma_start3A_22 = tpu.memref_slice %arg7[%dma_start3A_19, %dma_start3A_20, %dma_start3A_21] : memref<2x512x32xf32, #tpu.memory_space<vmem>> -> memref<1x128x32xf32, #tpu.memory_space<vmem>>
    %dma_start3A_23 = tpu.memref_squeeze %dma_start3A_22 : memref<1x128x32xf32, #tpu.memory_space<vmem>> -> memref<128x32xf32, #tpu.memory_space<vmem>>
    %dma_start3A_24 = arith.constant 0 : i32
    %dma_start3A_25 = tpu.memref_slice %arg6[%dma_start3A_18, %dma_start3A_24] : memref<112x128xi32, #tpu.memory_space<vmem>> -> memref<1x128xi32, #tpu.memory_space<vmem>>
    %dma_start3A_26 = tpu.memref_squeeze %dma_start3A_25 : memref<1x128xi32, #tpu.memory_space<vmem>> -> memref<128xi32, #tpu.memory_space<vmem>>
    %dma_start3A_27 = arith.constant 0 : i32
    %dma_start3A_28 = arith.constant 0 : i32
    %dma_start3A_29 = tpu.memref_slice %arg3[%dma_start3A_27, %dma_start3A_28] : memref<580000x32xf32, #tpu.memory_space<hbm>> -> memref<580000x32xf32, #tpu.memory_space<hbm>>
    tpu.enqueue_indirect_dma source(%dma_start3A_29 : memref<580000x32xf32, #tpu.memory_space<hbm>>) target(%dma_start3A_23 : memref<128x32xf32, #tpu.memory_space<vmem>>) offsets(%dma_start3A_26 : memref<128xi32, #tpu.memory_space<vmem>>) semaphore(%arg9 : memref<!tpu.dma_semaphore, #tpu.memory_space<semaphore_mem>>)
    %dma_start3A_30 = arith.constant 2 : i32
    %dma_start3A_31 = arith.constant 0 : i32
    %dma_start3A_32 = arith.constant 256 : i32
    %dma_start3A_33 = arith.constant 0 : i32
    %dma_start3A_34 = tpu.memref_slice %arg7[%dma_start3A_31, %dma_start3A_32, %dma_start3A_33] : memref<2x512x32xf32, #tpu.memory_space<vmem>> -> memref<1x128x32xf32, #tpu.memory_space<vmem>>
    %dma_start3A_35 = tpu.memref_squeeze %dma_start3A_34 : memref<1x128x32xf32, #tpu.memory_space<vmem>> -> memref<128x32xf32, #tpu.memory_space<vmem>>
    %dma_start3A_36 = arith.constant 0 : i32
    %dma_start3A_37 = tpu.memref_slice %arg6[%dma_start3A_30, %dma_start3A_36] : memref<112x128xi32, #tpu.memory_space<vmem>> -> memref<1x128xi32, #tpu.memory_space<vmem>>
    %dma_start3A_38 = tpu.memref_squeeze %dma_start3A_37 : memref<1x128xi32, #tpu.memory_space<vmem>> -> memref<128xi32, #tpu.memory_space<vmem>>
    %dma_start3A_39 = arith.constant 0 : i32
    %dma_start3A_40 = arith.constant 0 : i32
    %dma_start3A_41 = tpu.memref_slice %arg3[%dma_start3A_39, %dma_start3A_40] : memref<580000x32xf32, #tpu.memory_space<hbm>> -> memref<580000x32xf32, #tpu.memory_space<hbm>>
    tpu.enqueue_indirect_dma source(%dma_start3A_41 : memref<580000x32xf32, #tpu.memory_space<hbm>>) target(%dma_start3A_35 : memref<128x32xf32, #tpu.memory_space<vmem>>) offsets(%dma_start3A_38 : memref<128xi32, #tpu.memory_space<vmem>>) semaphore(%arg9 : memref<!tpu.dma_semaphore, #tpu.memory_space<semaphore_mem>>)
    %dma_start3A_42 = arith.constant 3 : i32
    %dma_start3A_43 = arith.constant 0 : i32
    %dma_start3A_44 = arith.constant 384 : i32
    %dma_start3A_45 = arith.constant 0 : i32
    %dma_start3A_46 = tpu.memref_slice %arg7[%dma_start3A_43, %dma_start3A_44, %dma_start3A_45] : memref<2x512x32xf32, #tpu.memory_space<vmem>> -> memref<1x128x32xf32, #tpu.memory_space<vmem>>
    %dma_start3A_47 = tpu.memref_squeeze %dma_start3A_46 : memref<1x128x32xf32, #tpu.memory_space<vmem>> -> memref<128x32xf32, #tpu.memory_space<vmem>>
    %dma_start3A_48 = arith.constant 0 : i32
    %dma_start3A_49 = tpu.memref_slice %arg6[%dma_start3A_42, %dma_start3A_48] : memref<112x128xi32, #tpu.memory_space<vmem>> -> memref<1x128xi32, #tpu.memory_space<vmem>>
    %dma_start3A_50 = tpu.memref_squeeze %dma_start3A_49 : memref<1x128xi32, #tpu.memory_space<vmem>> -> memref<128xi32, #tpu.memory_space<vmem>>
    %dma_start3A_51 = arith.constant 0 : i32
    %dma_start3A_52 = arith.constant 0 : i32
    %dma_start3A_53 = tpu.memref_slice %arg3[%dma_start3A_51, %dma_start3A_52] : memref<580000x32xf32, #tpu.memory_space<hbm>> -> memref<580000x32xf32, #tpu.memory_space<hbm>>
    tpu.enqueue_indirect_dma source(%dma_start3A_53 : memref<580000x32xf32, #tpu.memory_space<hbm>>) target(%dma_start3A_47 : memref<128x32xf32, #tpu.memory_space<vmem>>) offsets(%dma_start3A_50 : memref<128xi32, #tpu.memory_space<vmem>>) semaphore(%arg9 : memref<!tpu.dma_semaphore, #tpu.memory_space<semaphore_mem>>)
    %scan3A = arith.constant 0 : i32
    %scan3A_54 = arith.constant 0 : i32
    %scan3A_55 = arith.constant 28 : i32
    %scan3A_56 = arith.addi %scan3A_54, %scan3A_55 : i32
    %scan3A_57 = arith.constant 1 : i32
    %scan3A_58 = scf.for %scan3A_90 = %scan3A_54 to %scan3A_56 step %scan3A_57 iter_args(%scan3A_91 = %scan3A) -> (i32)  : i32 {
      %add3A_92 = arith.constant 1 : i32
      %add3A_93 = arith.addi %scan3A_90, %add3A_92 : i32
      %lt3A = arith.constant 28 : i32
      %lt3A_94 = arith.cmpi slt, %add3A_93, %lt3A : i32
      %convert_element_type3A = arith.extui %lt3A_94 : i1 to i32
      %cond3A = arith.constant 0 : i32
      %cond3A_95 = arith.cmpi ne, %convert_element_type3A, %cond3A : i32
      scf.if %cond3A_95 {
        %add3A_176 = arith.constant 1 : i32
        %add3A_177 = arith.addi %scan3A_90, %add3A_176 : i32
        %sub3A_178 = arith.constant 1 : i32
        %sub3A_179 = arith.subi %sub3A_178, %scan3A_91 : i32
        %mul3A_180 = arith.constant 4 : i32
        %mul3A_181 = arith.muli %add3A_177, %mul3A_180 : i32
        %add3A_182 = arith.constant 0 : i32
        %add3A_183 = arith.addi %mul3A_181, %add3A_182 : i32
        %dma_start3A_184 = arith.constant 0 : i32
        %dma_start3A_185 = arith.constant 0 : i32
        %dma_start3A_186 = tpu.memref_slice %arg7[%sub3A_179, %dma_start3A_184, %dma_start3A_185] : memref<2x512x32xf32, #tpu.memory_space<vmem>> -> memref<1x128x32xf32, #tpu.memory_space<vmem>>
        %dma_start3A_187 = tpu.memref_squeeze %dma_start3A_186 : memref<1x128x32xf32, #tpu.memory_space<vmem>> -> memref<128x32xf32, #tpu.memory_space<vmem>>
        %dma_start3A_188 = arith.constant 0 : i32
        %dma_start3A_189 = tpu.memref_slice %arg6[%add3A_183, %dma_start3A_188] : memref<112x128xi32, #tpu.memory_space<vmem>> -> memref<1x128xi32, #tpu.memory_space<vmem>>
        %dma_start3A_190 = tpu.memref_squeeze %dma_start3A_189 : memref<1x128xi32, #tpu.memory_space<vmem>> -> memref<128xi32, #tpu.memory_space<vmem>>
        %dma_start3A_191 = arith.constant 0 : i32
        %dma_start3A_192 = arith.constant 0 : i32
        %dma_start3A_193 = tpu.memref_slice %arg3[%dma_start3A_191, %dma_start3A_192] : memref<580000x32xf32, #tpu.memory_space<hbm>> -> memref<580000x32xf32, #tpu.memory_space<hbm>>
        tpu.enqueue_indirect_dma source(%dma_start3A_193 : memref<580000x32xf32, #tpu.memory_space<hbm>>) target(%dma_start3A_187 : memref<128x32xf32, #tpu.memory_space<vmem>>) offsets(%dma_start3A_190 : memref<128xi32, #tpu.memory_space<vmem>>) semaphore(%arg9 : memref<!tpu.dma_semaphore, #tpu.memory_space<semaphore_mem>>)
        %mul3A_194 = arith.constant 4 : i32
        %mul3A_195 = arith.muli %add3A_177, %mul3A_194 : i32
        %add3A_196 = arith.constant 1 : i32
        %add3A_197 = arith.addi %mul3A_195, %add3A_196 : i32
        %dma_start3A_198 = arith.constant 128 : i32
        %dma_start3A_199 = arith.constant 0 : i32
        %dma_start3A_200 = tpu.memref_slice %arg7[%sub3A_179, %dma_start3A_198, %dma_start3A_199] : memref<2x512x32xf32, #tpu.memory_space<vmem>> -> memref<1x128x32xf32, #tpu.memory_space<vmem>>
        %dma_start3A_201 = tpu.memref_squeeze %dma_start3A_200 : memref<1x128x32xf32, #tpu.memory_space<vmem>> -> memref<128x32xf32, #tpu.memory_space<vmem>>
        %dma_start3A_202 = arith.constant 0 : i32
        %dma_start3A_203 = tpu.memref_slice %arg6[%add3A_197, %dma_start3A_202] : memref<112x128xi32, #tpu.memory_space<vmem>> -> memref<1x128xi32, #tpu.memory_space<vmem>>
        %dma_start3A_204 = tpu.memref_squeeze %dma_start3A_203 : memref<1x128xi32, #tpu.memory_space<vmem>> -> memref<128xi32, #tpu.memory_space<vmem>>
        %dma_start3A_205 = arith.constant 0 : i32
        %dma_start3A_206 = arith.constant 0 : i32
        %dma_start3A_207 = tpu.memref_slice %arg3[%dma_start3A_205, %dma_start3A_206] : memref<580000x32xf32, #tpu.memory_space<hbm>> -> memref<580000x32xf32, #tpu.memory_space<hbm>>
        tpu.enqueue_indirect_dma source(%dma_start3A_207 : memref<580000x32xf32, #tpu.memory_space<hbm>>) target(%dma_start3A_201 : memref<128x32xf32, #tpu.memory_space<vmem>>) offsets(%dma_start3A_204 : memref<128xi32, #tpu.memory_space<vmem>>) semaphore(%arg9 : memref<!tpu.dma_semaphore, #tpu.memory_space<semaphore_mem>>)
        %mul3A_208 = arith.constant 4 : i32
        %mul3A_209 = arith.muli %add3A_177, %mul3A_208 : i32
        %add3A_210 = arith.constant 2 : i32
        %add3A_211 = arith.addi %mul3A_209, %add3A_210 : i32
        %dma_start3A_212 = arith.constant 256 : i32
        %dma_start3A_213 = arith.constant 0 : i32
        %dma_start3A_214 = tpu.memref_slice %arg7[%sub3A_179, %dma_start3A_212, %dma_start3A_213] : memref<2x512x32xf32, #tpu.memory_space<vmem>> -> memref<1x128x32xf32, #tpu.memory_space<vmem>>
        %dma_start3A_215 = tpu.memref_squeeze %dma_start3A_214 : memref<1x128x32xf32, #tpu.memory_space<vmem>> -> memref<128x32xf32, #tpu.memory_space<vmem>>
        %dma_start3A_216 = arith.constant 0 : i32
        %dma_start3A_217 = tpu.memref_slice %arg6[%add3A_211, %dma_start3A_216] : memref<112x128xi32, #tpu.memory_space<vmem>> -> memref<1x128xi32, #tpu.memory_space<vmem>>
        %dma_start3A_218 = tpu.memref_squeeze %dma_start3A_217 : memref<1x128xi32, #tpu.memory_space<vmem>> -> memref<128xi32, #tpu.memory_space<vmem>>
        %dma_start3A_219 = arith.constant 0 : i32
        %dma_start3A_220 = arith.constant 0 : i32
        %dma_start3A_221 = tpu.memref_slice %arg3[%dma_start3A_219, %dma_start3A_220] : memref<580000x32xf32, #tpu.memory_space<hbm>> -> memref<580000x32xf32, #tpu.memory_space<hbm>>
        tpu.enqueue_indirect_dma source(%dma_start3A_221 : memref<580000x32xf32, #tpu.memory_space<hbm>>) target(%dma_start3A_215 : memref<128x32xf32, #tpu.memory_space<vmem>>) offsets(%dma_start3A_218 : memref<128xi32, #tpu.memory_space<vmem>>) semaphore(%arg9 : memref<!tpu.dma_semaphore, #tpu.memory_space<semaphore_mem>>)
        %mul3A_222 = arith.constant 4 : i32
        %mul3A_223 = arith.muli %add3A_177, %mul3A_222 : i32
        %add3A_224 = arith.constant 3 : i32
        %add3A_225 = arith.addi %mul3A_223, %add3A_224 : i32
        %dma_start3A_226 = arith.constant 384 : i32
        %dma_start3A_227 = arith.constant 0 : i32
        %dma_start3A_228 = tpu.memref_slice %arg7[%sub3A_179, %dma_start3A_226, %dma_start3A_227] : memref<2x512x32xf32, #tpu.memory_space<vmem>> -> memref<1x128x32xf32, #tpu.memory_space<vmem>>
        %dma_start3A_229 = tpu.memref_squeeze %dma_start3A_228 : memref<1x128x32xf32, #tpu.memory_space<vmem>> -> memref<128x32xf32, #tpu.memory_space<vmem>>
        %dma_start3A_230 = arith.constant 0 : i32
        %dma_start3A_231 = tpu.memref_slice %arg6[%add3A_225, %dma_start3A_230] : memref<112x128xi32, #tpu.memory_space<vmem>> -> memref<1x128xi32, #tpu.memory_space<vmem>>
        %dma_start3A_232 = tpu.memref_squeeze %dma_start3A_231 : memref<1x128xi32, #tpu.memory_space<vmem>> -> memref<128xi32, #tpu.memory_space<vmem>>
        %dma_start3A_233 = arith.constant 0 : i32
        %dma_start3A_234 = arith.constant 0 : i32
        %dma_start3A_235 = tpu.memref_slice %arg3[%dma_start3A_233, %dma_start3A_234] : memref<580000x32xf32, #tpu.memory_space<hbm>> -> memref<580000x32xf32, #tpu.memory_space<hbm>>
        tpu.enqueue_indirect_dma source(%dma_start3A_235 : memref<580000x32xf32, #tpu.memory_space<hbm>>) target(%dma_start3A_229 : memref<128x32xf32, #tpu.memory_space<vmem>>) offsets(%dma_start3A_232 : memref<128xi32, #tpu.memory_space<vmem>>) semaphore(%arg9 : memref<!tpu.dma_semaphore, #tpu.memory_space<semaphore_mem>>)
      } else {
      }
      %mul3A_96 = arith.constant 4 : i32
      %mul3A_97 = arith.muli %scan3A_90, %mul3A_96 : i32
      %add3A_98 = arith.constant 0 : i32
      %add3A_99 = arith.addi %mul3A_97, %add3A_98 : i32
      %dma_wait3A_100 = arith.constant 0 : i32
      %dma_wait3A_101 = arith.constant 0 : i32
      %dma_wait3A_102 = tpu.memref_slice %arg7[%scan3A_91, %dma_wait3A_100, %dma_wait3A_101] : memref<2x512x32xf32, #tpu.memory_space<vmem>> -> memref<1x128x32xf32, #tpu.memory_space<vmem>>
      %dma_wait3A_103 = tpu.memref_squeeze %dma_wait3A_102 : memref<1x128x32xf32, #tpu.memory_space<vmem>> -> memref<128x32xf32, #tpu.memory_space<vmem>>
      %dma_wait3A_104 = arith.constant 0 : i32
      %dma_wait3A_105 = tpu.memref_slice %arg6[%add3A_99, %dma_wait3A_104] : memref<112x128xi32, #tpu.memory_space<vmem>> -> memref<1x128xi32, #tpu.memory_space<vmem>>
      %dma_wait3A_106 = tpu.memref_squeeze %dma_wait3A_105 : memref<1x128xi32, #tpu.memory_space<vmem>> -> memref<128xi32, #tpu.memory_space<vmem>>
      %dma_wait3A_107 = arith.constant 0 : i32
      %dma_wait3A_108 = arith.constant 0 : i32
      %dma_wait3A_109 = tpu.memref_slice %arg3[%dma_wait3A_107, %dma_wait3A_108] : memref<580000x32xf32, #tpu.memory_space<hbm>> -> memref<580000x32xf32, #tpu.memory_space<hbm>>
      tpu.wait_indirect_dma semaphore(%arg9 : memref<!tpu.dma_semaphore, #tpu.memory_space<semaphore_mem>>) src(%dma_wait3A_109 : memref<580000x32xf32, #tpu.memory_space<hbm>>) dst(%dma_wait3A_103 : memref<128x32xf32, #tpu.memory_space<vmem>>)
      %mul3A_110 = arith.constant 4 : i32
      %mul3A_111 = arith.muli %scan3A_90, %mul3A_110 : i32
      %add3A_112 = arith.constant 1 : i32
      %add3A_113 = arith.addi %mul3A_111, %add3A_112 : i32
      %dma_wait3A_114 = arith.constant 128 : i32
      %dma_wait3A_115 = arith.constant 0 : i32
      %dma_wait3A_116 = tpu.memref_slice %arg7[%scan3A_91, %dma_wait3A_114, %dma_wait3A_115] : memref<2x512x32xf32, #tpu.memory_space<vmem>> -> memref<1x128x32xf32, #tpu.memory_space<vmem>>
      %dma_wait3A_117 = tpu.memref_squeeze %dma_wait3A_116 : memref<1x128x32xf32, #tpu.memory_space<vmem>> -> memref<128x32xf32, #tpu.memory_space<vmem>>
      %dma_wait3A_118 = arith.constant 0 : i32
      %dma_wait3A_119 = tpu.memref_slice %arg6[%add3A_113, %dma_wait3A_118] : memref<112x128xi32, #tpu.memory_space<vmem>> -> memref<1x128xi32, #tpu.memory_space<vmem>>
      %dma_wait3A_120 = tpu.memref_squeeze %dma_wait3A_119 : memref<1x128xi32, #tpu.memory_space<vmem>> -> memref<128xi32, #tpu.memory_space<vmem>>
      %dma_wait3A_121 = arith.constant 0 : i32
      %dma_wait3A_122 = arith.constant 0 : i32
      %dma_wait3A_123 = tpu.memref_slice %arg3[%dma_wait3A_121, %dma_wait3A_122] : memref<580000x32xf32, #tpu.memory_space<hbm>> -> memref<580000x32xf32, #tpu.memory_space<hbm>>
      tpu.wait_indirect_dma semaphore(%arg9 : memref<!tpu.dma_semaphore, #tpu.memory_space<semaphore_mem>>) src(%dma_wait3A_123 : memref<580000x32xf32, #tpu.memory_space<hbm>>) dst(%dma_wait3A_117 : memref<128x32xf32, #tpu.memory_space<vmem>>)
      %mul3A_124 = arith.constant 4 : i32
      %mul3A_125 = arith.muli %scan3A_90, %mul3A_124 : i32
      %add3A_126 = arith.constant 2 : i32
      %add3A_127 = arith.addi %mul3A_125, %add3A_126 : i32
      %dma_wait3A_128 = arith.constant 256 : i32
      %dma_wait3A_129 = arith.constant 0 : i32
      %dma_wait3A_130 = tpu.memref_slice %arg7[%scan3A_91, %dma_wait3A_128, %dma_wait3A_129] : memref<2x512x32xf32, #tpu.memory_space<vmem>> -> memref<1x128x32xf32, #tpu.memory_space<vmem>>
      %dma_wait3A_131 = tpu.memref_squeeze %dma_wait3A_130 : memref<1x128x32xf32, #tpu.memory_space<vmem>> -> memref<128x32xf32, #tpu.memory_space<vmem>>
      %dma_wait3A_132 = arith.constant 0 : i32
      %dma_wait3A_133 = tpu.memref_slice %arg6[%add3A_127, %dma_wait3A_132] : memref<112x128xi32, #tpu.memory_space<vmem>> -> memref<1x128xi32, #tpu.memory_space<vmem>>
      %dma_wait3A_134 = tpu.memref_squeeze %dma_wait3A_133 : memref<1x128xi32, #tpu.memory_space<vmem>> -> memref<128xi32, #tpu.memory_space<vmem>>
      %dma_wait3A_135 = arith.constant 0 : i32
      %dma_wait3A_136 = arith.constant 0 : i32
      %dma_wait3A_137 = tpu.memref_slice %arg3[%dma_wait3A_135, %dma_wait3A_136] : memref<580000x32xf32, #tpu.memory_space<hbm>> -> memref<580000x32xf32, #tpu.memory_space<hbm>>
      tpu.wait_indirect_dma semaphore(%arg9 : memref<!tpu.dma_semaphore, #tpu.memory_space<semaphore_mem>>) src(%dma_wait3A_137 : memref<580000x32xf32, #tpu.memory_space<hbm>>) dst(%dma_wait3A_131 : memref<128x32xf32, #tpu.memory_space<vmem>>)
      %mul3A_138 = arith.constant 4 : i32
      %mul3A_139 = arith.muli %scan3A_90, %mul3A_138 : i32
      %add3A_140 = arith.constant 3 : i32
      %add3A_141 = arith.addi %mul3A_139, %add3A_140 : i32
      %dma_wait3A_142 = arith.constant 384 : i32
      %dma_wait3A_143 = arith.constant 0 : i32
      %dma_wait3A_144 = tpu.memref_slice %arg7[%scan3A_91, %dma_wait3A_142, %dma_wait3A_143] : memref<2x512x32xf32, #tpu.memory_space<vmem>> -> memref<1x128x32xf32, #tpu.memory_space<vmem>>
      %dma_wait3A_145 = tpu.memref_squeeze %dma_wait3A_144 : memref<1x128x32xf32, #tpu.memory_space<vmem>> -> memref<128x32xf32, #tpu.memory_space<vmem>>
      %dma_wait3A_146 = arith.constant 0 : i32
      %dma_wait3A_147 = tpu.memref_slice %arg6[%add3A_141, %dma_wait3A_146] : memref<112x128xi32, #tpu.memory_space<vmem>> -> memref<1x128xi32, #tpu.memory_space<vmem>>
      %dma_wait3A_148 = tpu.memref_squeeze %dma_wait3A_147 : memref<1x128xi32, #tpu.memory_space<vmem>> -> memref<128xi32, #tpu.memory_space<vmem>>
      %dma_wait3A_149 = arith.constant 0 : i32
      %dma_wait3A_150 = arith.constant 0 : i32
      %dma_wait3A_151 = tpu.memref_slice %arg3[%dma_wait3A_149, %dma_wait3A_150] : memref<580000x32xf32, #tpu.memory_space<hbm>> -> memref<580000x32xf32, #tpu.memory_space<hbm>>
      tpu.wait_indirect_dma semaphore(%arg9 : memref<!tpu.dma_semaphore, #tpu.memory_space<semaphore_mem>>) src(%dma_wait3A_151 : memref<580000x32xf32, #tpu.memory_space<hbm>>) dst(%dma_wait3A_145 : memref<128x32xf32, #tpu.memory_space<vmem>>)
      %ge3A = arith.constant 2 : i32
      %ge3A_152 = arith.cmpi sge, %scan3A_90, %ge3A : i32
      %convert_element_type3A_153 = arith.extui %ge3A_152 : i1 to i32
      %cond3A_154 = arith.constant 0 : i32
      %cond3A_155 = arith.cmpi ne, %convert_element_type3A_153, %cond3A_154 : i32
      scf.if %cond3A_155 {
        %sub3A_176 = arith.constant 2 : i32
        %sub3A_177 = arith.subi %scan3A_90, %sub3A_176 : i32
        %mul3A_178 = arith.constant 128 : i32
        %mul3A_179 = arith.muli %sub3A_177, %mul3A_178 : i32
        %add3A_180 = arith.addi %mul3A_2, %mul3A_179 : i32
        %multiple_of3A_181 = tpu.assume_multiple %add3A_180, 128 : i32
        %dma_wait3A_182 = arith.constant 0 : i32
        %dma_wait3A_183 = arith.constant 0 : i32
        %dma_wait3A_184 = tpu.memref_slice %arg8[%scan3A_91, %dma_wait3A_182, %dma_wait3A_183] : memref<2x128x128xf32, #tpu.memory_space<vmem>> -> memref<1x128x128xf32, #tpu.memory_space<vmem>>
        %dma_wait3A_185 = tpu.memref_squeeze %dma_wait3A_184 : memref<1x128x128xf32, #tpu.memory_space<vmem>> -> memref<128x128xf32, #tpu.memory_space<vmem>>
        %dma_wait3A_186 = arith.constant 0 : i32
        %dma_wait3A_187 = tpu.memref_slice %arg4[%multiple_of3A_181, %dma_wait3A_186] : memref<114688x128xf32, #tpu.memory_space<hbm>> -> memref<128x128xf32, #tpu.memory_space<hbm>>
        %dma_wait3A_188 = arith.constant 0 : i32
        %dma_wait3A_189 = tpu.memref_slice %arg4[%multiple_of3A_181, %dma_wait3A_188] : memref<114688x128xf32, #tpu.memory_space<hbm>> -> memref<128x128xf32, #tpu.memory_space<hbm>>
        %dma_wait3A_190 = arith.constant 0 : i32
        %dma_wait3A_191 = arith.constant 0 : i32
        %dma_wait3A_192 = tpu.memref_slice %arg8[%scan3A_91, %dma_wait3A_190, %dma_wait3A_191] : memref<2x128x128xf32, #tpu.memory_space<vmem>> -> memref<1x128x128xf32, #tpu.memory_space<vmem>>
        %dma_wait3A_193 = tpu.memref_squeeze %dma_wait3A_192 : memref<1x128x128xf32, #tpu.memory_space<vmem>> -> memref<128x128xf32, #tpu.memory_space<vmem>>
        tpu.wait_dma2 semaphore(%arg10 : memref<!tpu.dma_semaphore, #tpu.memory_space<semaphore_mem>>) src(%dma_wait3A_193 : memref<128x128xf32, #tpu.memory_space<vmem>>) dst(%dma_wait3A_189 : memref<128x128xf32, #tpu.memory_space<hbm>>)
      } else {
      }
      %parallel_loop3A_156 = arith.constant 0 : i32
      %parallel_loop3A_157 = arith.constant 128 : i32
      %parallel_loop3A_158 = arith.constant 1 : i32
      scf.for %parallel_loop3A_176 = %parallel_loop3A_156 to %parallel_loop3A_157 step %parallel_loop3A_158  : i32 {
        %parallel_loop3A_177 = arith.constant 0 : i32
        %parallel_loop3A_178 = arith.addi %parallel_loop3A_177, %parallel_loop3A_176 : i32
        %parallel_loop3A_179 = arith.index_cast %scan3A_91 : i32 to index
        %parallel_loop3A_180 = arith.index_cast %parallel_loop3A_178 : i32 to index
        %parallel_loop3A_181 = arith.constant 0 : index
        %parallel_loop3A_182 = tpu.vector_load %arg7[%parallel_loop3A_179, %parallel_loop3A_180, %parallel_loop3A_181] {strides = array<i32>} : memref<2x512x32xf32, #tpu.memory_space<vmem>>, vector<16xf32>,
        %parallel_loop3A_183 = arith.constant 0 : i32
        %parallel_loop3A_184 = arith.addi %parallel_loop3A_183, %parallel_loop3A_176 : i32
        %parallel_loop3A_185 = arith.index_cast %scan3A_91 : i32 to index
        %parallel_loop3A_186 = arith.index_cast %parallel_loop3A_184 : i32 to index
        %parallel_loop3A_187 = arith.constant 16 : index
        %parallel_loop3A_188 = tpu.vector_load %arg7[%parallel_loop3A_185, %parallel_loop3A_186, %parallel_loop3A_187] {strides = array<i32>} : memref<2x512x32xf32, #tpu.memory_space<vmem>>, vector<16xf32>,
        %parallel_loop3A_189 = arith.constant 128 : i32
        %parallel_loop3A_190 = arith.addi %parallel_loop3A_189, %parallel_loop3A_176 : i32
        %parallel_loop3A_191 = arith.index_cast %scan3A_91 : i32 to index
        %parallel_loop3A_192 = arith.index_cast %parallel_loop3A_190 : i32 to index
        %parallel_loop3A_193 = arith.constant 0 : index
        %parallel_loop3A_194 = tpu.vector_load %arg7[%parallel_loop3A_191, %parallel_loop3A_192, %parallel_loop3A_193] {strides = array<i32>} : memref<2x512x32xf32, #tpu.memory_space<vmem>>, vector<16xf32>,
        %parallel_loop3A_195 = arith.constant 128 : i32
        %parallel_loop3A_196 = arith.addi %parallel_loop3A_195, %parallel_loop3A_176 : i32
        %parallel_loop3A_197 = arith.index_cast %scan3A_91 : i32 to index
        %parallel_loop3A_198 = arith.index_cast %parallel_loop3A_196 : i32 to index
        %parallel_loop3A_199 = arith.constant 16 : index
        %parallel_loop3A_200 = tpu.vector_load %arg7[%parallel_loop3A_197, %parallel_loop3A_198, %parallel_loop3A_199] {strides = array<i32>} : memref<2x512x32xf32, #tpu.memory_space<vmem>>, vector<16xf32>,
        %parallel_loop3A_201 = arith.constant 256 : i32
        %parallel_loop3A_202 = arith.addi %parallel_loop3A_201, %parallel_loop3A_176 : i32
        %parallel_loop3A_203 = arith.index_cast %scan3A_91 : i32 to index
        %parallel_loop3A_204 = arith.index_cast %parallel_loop3A_202 : i32 to index
        %parallel_loop3A_205 = arith.constant 0 : index
        %parallel_loop3A_206 = tpu.vector_load %arg7[%parallel_loop3A_203, %parallel_loop3A_204, %parallel_loop3A_205] {strides = array<i32>} : memref<2x512x32xf32, #tpu.memory_space<vmem>>, vector<16xf32>,
        %parallel_loop3A_207 = arith.constant 256 : i32
        %parallel_loop3A_208 = arith.addi %parallel_loop3A_207, %parallel_loop3A_176 : i32
        %parallel_loop3A_209 = arith.index_cast %scan3A_91 : i32 to index
        %parallel_loop3A_210 = arith.index_cast %parallel_loop3A_208 : i32 to index
        %parallel_loop3A_211 = arith.constant 16 : index
        %parallel_loop3A_212 = tpu.vector_load %arg7[%parallel_loop3A_209, %parallel_loop3A_210, %parallel_loop3A_211] {strides = array<i32>} : memref<2x512x32xf32, #tpu.memory_space<vmem>>, vector<16xf32>,
        %parallel_loop3A_213 = arith.constant 384 : i32
        %parallel_loop3A_214 = arith.addi %parallel_loop3A_213, %parallel_loop3A_176 : i32
        %parallel_loop3A_215 = arith.index_cast %scan3A_91 : i32 to index
        %parallel_loop3A_216 = arith.index_cast %parallel_loop3A_214 : i32 to index
        %parallel_loop3A_217 = arith.constant 0 : index
        %parallel_loop3A_218 = tpu.vector_load %arg7[%parallel_loop3A_215, %parallel_loop3A_216, %parallel_loop3A_217] {strides = array<i32>} : memref<2x512x32xf32, #tpu.memory_space<vmem>>, vector<16xf32>,
        %parallel_loop3A_219 = arith.constant 384 : i32
        %parallel_loop3A_220 = arith.addi %parallel_loop3A_219, %parallel_loop3A_176 : i32
        %parallel_loop3A_221 = arith.index_cast %scan3A_91 : i32 to index
        %parallel_loop3A_222 = arith.index_cast %parallel_loop3A_220 : i32 to index
        %parallel_loop3A_223 = arith.constant 16 : index
        %parallel_loop3A_224 = tpu.vector_load %arg7[%parallel_loop3A_221, %parallel_loop3A_222, %parallel_loop3A_223] {strides = array<i32>} : memref<2x512x32xf32, #tpu.memory_space<vmem>>, vector<16xf32>,
        %parallel_loop3A_225 = arith.index_cast %scan3A_91 : i32 to index
        %parallel_loop3A_226 = arith.index_cast %parallel_loop3A_176 : i32 to index
        %parallel_loop3A_227 = arith.constant 0 : index
        %parallel_loop3A_228 = tpu.vector_load %arg8[%parallel_loop3A_225, %parallel_loop3A_226, %parallel_loop3A_227] {strides = array<i32>} : memref<2x128x128xf32, #tpu.memory_space<vmem>>, vector<16xf32>,
        tpu.vector_store %arg8[%parallel_loop3A_225, %parallel_loop3A_226, %parallel_loop3A_227], %parallel_loop3A_182 {strides = array<i32>} : memref<2x128x128xf32, #tpu.memory_space<vmem>>, vector<16xf32>,
        %parallel_loop3A_229 = arith.index_cast %scan3A_91 : i32 to index
        %parallel_loop3A_230 = arith.index_cast %parallel_loop3A_176 : i32 to index
        %parallel_loop3A_231 = arith.constant 16 : index
        %parallel_loop3A_232 = tpu.vector_load %arg8[%parallel_loop3A_229, %parallel_loop3A_230, %parallel_loop3A_231] {strides = array<i32>} : memref<2x128x128xf32, #tpu.memory_space<vmem>>, vector<16xf32>,
        tpu.vector_store %arg8[%parallel_loop3A_229, %parallel_loop3A_230, %parallel_loop3A_231], %parallel_loop3A_188 {strides = array<i32>} : memref<2x128x128xf32, #tpu.memory_space<vmem>>, vector<16xf32>,
        %parallel_loop3A_233 = arith.index_cast %scan3A_91 : i32 to index
        %parallel_loop3A_234 = arith.index_cast %parallel_loop3A_176 : i32 to index
        %parallel_loop3A_235 = arith.constant 32 : index
        %parallel_loop3A_236 = tpu.vector_load %arg8[%parallel_loop3A_233, %parallel_loop3A_234, %parallel_loop3A_235] {strides = array<i32>} : memref<2x128x128xf32, #tpu.memory_space<vmem>>, vector<16xf32>,
        tpu.vector_store %arg8[%parallel_loop3A_233, %parallel_loop3A_234, %parallel_loop3A_235], %parallel_loop3A_194 {strides = array<i32>} : memref<2x128x128xf32, #tpu.memory_space<vmem>>, vector<16xf32>,
        %parallel_loop3A_237 = arith.index_cast %scan3A_91 : i32 to index
        %parallel_loop3A_238 = arith.index_cast %parallel_loop3A_176 : i32 to index
        %parallel_loop3A_239 = arith.constant 48 : index
        %parallel_loop3A_240 = tpu.vector_load %arg8[%parallel_loop3A_237, %parallel_loop3A_238, %parallel_loop3A_239] {strides = array<i32>} : memref<2x128x128xf32, #tpu.memory_space<vmem>>, vector<16xf32>,
        tpu.vector_store %arg8[%parallel_loop3A_237, %parallel_loop3A_238, %parallel_loop3A_239], %parallel_loop3A_200 {strides = array<i32>} : memref<2x128x128xf32, #tpu.memory_space<vmem>>, vector<16xf32>,
        %parallel_loop3A_241 = arith.index_cast %scan3A_91 : i32 to index
        %parallel_loop3A_242 = arith.index_cast %parallel_loop3A_176 : i32 to index
        %parallel_loop3A_243 = arith.constant 64 : index
        %parallel_loop3A_244 = tpu.vector_load %arg8[%parallel_loop3A_241, %parallel_loop3A_242, %parallel_loop3A_243] {strides = array<i32>} : memref<2x128x128xf32, #tpu.memory_space<vmem>>, vector<16xf32>,
        tpu.vector_store %arg8[%parallel_loop3A_241, %parallel_loop3A_242, %parallel_loop3A_243], %parallel_loop3A_206 {strides = array<i32>} : memref<2x128x128xf32, #tpu.memory_space<vmem>>, vector<16xf32>,
        %parallel_loop3A_245 = arith.index_cast %scan3A_91 : i32 to index
        %parallel_loop3A_246 = arith.index_cast %parallel_loop3A_176 : i32 to index
        %parallel_loop3A_247 = arith.constant 80 : index
        %parallel_loop3A_248 = tpu.vector_load %arg8[%parallel_loop3A_245, %parallel_loop3A_246, %parallel_loop3A_247] {strides = array<i32>} : memref<2x128x128xf32, #tpu.memory_space<vmem>>, vector<16xf32>,
        tpu.vector_store %arg8[%parallel_loop3A_245, %parallel_loop3A_246, %parallel_loop3A_247], %parallel_loop3A_212 {strides = array<i32>} : memref<2x128x128xf32, #tpu.memory_space<vmem>>, vector<16xf32>,
        %parallel_loop3A_249 = arith.index_cast %scan3A_91 : i32 to index
        %parallel_loop3A_250 = arith.index_cast %parallel_loop3A_176 : i32 to index
        %parallel_loop3A_251 = arith.constant 96 : index
        %parallel_loop3A_252 = tpu.vector_load %arg8[%parallel_loop3A_249, %parallel_loop3A_250, %parallel_loop3A_251] {strides = array<i32>} : memref<2x128x128xf32, #tpu.memory_space<vmem>>, vector<16xf32>,
        tpu.vector_store %arg8[%parallel_loop3A_249, %parallel_loop3A_250, %parallel_loop3A_251], %parallel_loop3A_218 {strides = array<i32>} : memref<2x128x128xf32, #tpu.memory_space<vmem>>, vector<16xf32>,
        %parallel_loop3A_253 = arith.index_cast %scan3A_91 : i32 to index
        %parallel_loop3A_254 = arith.index_cast %parallel_loop3A_176 : i32 to index
        %parallel_loop3A_255 = arith.constant 112 : index
        %parallel_loop3A_256 = tpu.vector_load %arg8[%parallel_loop3A_253, %parallel_loop3A_254, %parallel_loop3A_255] {strides = array<i32>} : memref<2x128x128xf32, #tpu.memory_space<vmem>>, vector<16xf32>,
        tpu.vector_store %arg8[%parallel_loop3A_253, %parallel_loop3A_254, %parallel_loop3A_255], %parallel_loop3A_224 {strides = array<i32>} : memref<2x128x128xf32, #tpu.memory_space<vmem>>, vector<16xf32>,
      } {sc.loop_unroll_factor = 2 : i64, sc.parallel_access}
      %mul3A_159 = arith.constant 128 : i32
      %mul3A_160 = arith.muli %scan3A_90, %mul3A_159 : i32
      %add3A_161 = arith.addi %mul3A_2, %mul3A_160 : i32
      %multiple_of3A_162 = tpu.assume_multiple %add3A_161, 128 : i32
      %dma_start3A_163 = arith.constant 0 : i32
      %dma_start3A_164 = arith.constant 0 : i32
      %dma_start3A_165 = tpu.memref_slice %arg8[%scan3A_91, %dma_start3A_163, %dma_start3A_164] : memref<2x128x128xf32, #tpu.memory_space<vmem>> -> memref<1x128x128xf32, #tpu.memory_space<vmem>>
      %dma_start3A_166 = tpu.memref_squeeze %dma_start3A_165 : memref<1x128x128xf32, #tpu.memory_space<vmem>> -> memref<128x128xf32, #tpu.memory_space<vmem>>
      %dma_start3A_167 = arith.constant 0 : i32
      %dma_start3A_168 = tpu.memref_slice %arg4[%multiple_of3A_162, %dma_start3A_167] : memref<114688x128xf32, #tpu.memory_space<hbm>> -> memref<128x128xf32, #tpu.memory_space<hbm>>
      %dma_start3A_169 = arith.constant 0 : i32
      %dma_start3A_170 = tpu.memref_slice %arg4[%multiple_of3A_162, %dma_start3A_169] : memref<114688x128xf32, #tpu.memory_space<hbm>> -> memref<128x128xf32, #tpu.memory_space<hbm>>
      %dma_start3A_171 = arith.constant 0 : i32
      %dma_start3A_172 = arith.constant 0 : i32
      %dma_start3A_173 = tpu.memref_slice %arg8[%scan3A_91, %dma_start3A_171, %dma_start3A_172] : memref<2x128x128xf32, #tpu.memory_space<vmem>> -> memref<1x128x128xf32, #tpu.memory_space<vmem>>
      %dma_start3A_174 = tpu.memref_squeeze %dma_start3A_173 : memref<1x128x128xf32, #tpu.memory_space<vmem>> -> memref<128x128xf32, #tpu.memory_space<vmem>>
      tpu.enqueue_dma source(%dma_start3A_174 : memref<128x128xf32, #tpu.memory_space<vmem>>) target(%dma_start3A_170 : memref<128x128xf32, #tpu.memory_space<hbm>>) target_semaphore(%arg10 : memref<!tpu.dma_semaphore, #tpu.memory_space<semaphore_mem>>)
      %sub3A = arith.constant 1 : i32
      %sub3A_175 = arith.subi %sub3A, %scan3A_91 : i32
      scf.yield %sub3A_175 : i32
    }
    %scan3A_59 = arith.constant 28 : i32
    %add3A_60 = arith.constant 3328 : i32
    %add3A_61 = arith.addi %mul3A_2, %add3A_60 : i32
    %multiple_of3A = tpu.assume_multiple %add3A_61, 128 : i32
    %dma_wait3A = arith.constant 0 : i32
    %dma_wait3A_62 = arith.constant 0 : i32
    %dma_wait3A_63 = arith.constant 0 : i32
    %dma_wait3A_64 = tpu.memref_slice %arg8[%dma_wait3A, %dma_wait3A_62, %dma_wait3A_63] : memref<2x128x128xf32, #tpu.memory_space<vmem>> -> memref<1x128x128xf32, #tpu.memory_space<vmem>>
    %dma_wait3A_65 = tpu.memref_squeeze %dma_wait3A_64 : memref<1x128x128xf32, #tpu.memory_space<vmem>> -> memref<128x128xf32, #tpu.memory_space<vmem>>
    %dma_wait3A_66 = arith.constant 0 : i32
    %dma_wait3A_67 = tpu.memref_slice %arg4[%multiple_of3A, %dma_wait3A_66] : memref<114688x128xf32, #tpu.memory_space<hbm>> -> memref<128x128xf32, #tpu.memory_space<hbm>>
    %dma_wait3A_68 = arith.constant 0 : i32
    %dma_wait3A_69 = tpu.memref_slice %arg4[%multiple_of3A, %dma_wait3A_68] : memref<114688x128xf32, #tpu.memory_space<hbm>> -> memref<128x128xf32, #tpu.memory_space<hbm>>
    %dma_wait3A_70 = arith.constant 0 : i32
    %dma_wait3A_71 = arith.constant 0 : i32
    %dma_wait3A_72 = tpu.memref_slice %arg8[%dma_wait3A, %dma_wait3A_70, %dma_wait3A_71] : memref<2x128x128xf32, #tpu.memory_space<vmem>> -> memref<1x128x128xf32, #tpu.memory_space<vmem>>
    %dma_wait3A_73 = tpu.memref_squeeze %dma_wait3A_72 : memref<1x128x128xf32, #tpu.memory_space<vmem>> -> memref<128x128xf32, #tpu.memory_space<vmem>>
    tpu.wait_dma2 semaphore(%arg10 : memref<!tpu.dma_semaphore, #tpu.memory_space<semaphore_mem>>) src(%dma_wait3A_73 : memref<128x128xf32, #tpu.memory_space<vmem>>) dst(%dma_wait3A_69 : memref<128x128xf32, #tpu.memory_space<hbm>>)
    %add3A_74 = arith.constant 3456 : i32
    %add3A_75 = arith.addi %mul3A_2, %add3A_74 : i32
    %multiple_of3A_76 = tpu.assume_multiple %add3A_75, 128 : i32
    %dma_wait3A_77 = arith.constant 1 : i32
    %dma_wait3A_78 = arith.constant 0 : i32
    %dma_wait3A_79 = arith.constant 0 : i32
    %dma_wait3A_80 = tpu.memref_slice %arg8[%dma_wait3A_77, %dma_wait3A_78, %dma_wait3A_79] : memref<2x128x128xf32, #tpu.memory_space<vmem>> -> memref<1x128x128xf32, #tpu.memory_space<vmem>>
    %dma_wait3A_81 = tpu.memref_squeeze %dma_wait3A_80 : memref<1x128x128xf32, #tpu.memory_space<vmem>> -> memref<128x128xf32, #tpu.memory_space<vmem>>
    %dma_wait3A_82 = arith.constant 0 : i32
    %dma_wait3A_83 = tpu.memref_slice %arg4[%multiple_of3A_76, %dma_wait3A_82] : memref<114688x128xf32, #tpu.memory_space<hbm>> -> memref<128x128xf32, #tpu.memory_space<hbm>>
    %dma_wait3A_84 = arith.constant 0 : i32
    %dma_wait3A_85 = tpu.memref_slice %arg4[%multiple_of3A_76, %dma_wait3A_84] : memref<114688x128xf32, #tpu.memory_space<hbm>> -> memref<128x128xf32, #tpu.memory_space<hbm>>
    %dma_wait3A_86 = arith.constant 0 : i32
    %dma_wait3A_87 = arith.constant 0 : i32
    %dma_wait3A_88 = tpu.memref_slice %arg8[%dma_wait3A_77, %dma_wait3A_86, %dma_wait3A_87] : memref<2x128x128xf32, #tpu.memory_space<vmem>> -> memref<1x128x128xf32, #tpu.memory_space<vmem>>
    %dma_wait3A_89 = tpu.memref_squeeze %dma_wait3A_88 : memref<1x128x128xf32, #tpu.memory_space<vmem>> -> memref<128x128xf32, #tpu.memory_space<vmem>>
    tpu.wait_dma2 semaphore(%arg10 : memref<!tpu.dma_semaphore, #tpu.memory_space<semaphore_mem>>) src(%dma_wait3A_89 : memref<128x128xf32, #tpu.memory_space<vmem>>) dst(%dma_wait3A_85 : memref<128x128xf32, #tpu.memory_space<hbm>>)
    return
  }
}

module attributes {stable_mosaic.version = 14 : i64} {
  func.func @_dense_body(%arg0: i32, %arg1: memref<7168x128xf32, #tpu.memory_space<vmem>>, %arg2: memref<896x30xf32, #tpu.memory_space<vmem>>, %arg3: memref<1x30xf32, #tpu.memory_space<vmem>>, %arg4: memref<1024x30xf32, #tpu.memory_space<vmem>>) attributes {dimension_semantics = [#tpu.dimension_semantics<arbitrary>], iteration_bounds = array<i64: 16>, scalar_prefetch = 0 : i64, scratch_operands = 0 : i64, tpu.core_type = #tpu.core_type<tc>, window_params = [{transform_indices = @transform_0, window_bounds = array<i64: 7168, 128>}, {pipeline_mode = #tpu.pipeline_mode<synchronous>, transform_indices = @transform_1, window_bounds = array<i64: 896, 30>}, {pipeline_mode = #tpu.pipeline_mode<synchronous>, transform_indices = @transform_2, window_bounds = array<i64: 1, 30>}, {transform_indices = @transform_3, window_bounds = array<i64: 1024, 30>}]} {
    %get3A = arith.constant 0 : index
    %get3A_0 = arith.constant 0 : index
    %get3A_1 = vector.load %arg1[%get3A, %get3A_0] : memref<7168x128xf32, #tpu.memory_space<vmem>>, vector<7168x128xf32>
    %reshape3A = vector.shape_cast %get3A_1 : vector<7168x128xf32> to vector<128x7x8x128xf32>
    %broadcast_in_dim3A = arith.constant 0.000000e+00 : f32
    %broadcast_in_dim3A_2 = vector.broadcast %broadcast_in_dim3A : f32 to vector<1024x30xf32>
    %slice3A = vector.extract_strided_slice %reshape3A {offsets = [0, 0, 0, 0], sizes = [128, 1, 8, 128], strides = [1, 1, 1, 1]} : vector<128x7x8x128xf32> to vector<128x1x8x128xf32>
    %squeeze3A = vector.shape_cast %slice3A : vector<128x1x8x128xf32> to vector<128x8x128xf32>
    %reshape3A_3 = vector.shape_cast %squeeze3A : vector<128x8x128xf32> to vector<1024x128xf32>
    %get3A_4 = arith.constant 0 : index
    %get3A_5 = arith.constant 0 : index
    %get3A_6 = vector.load %arg2[%get3A_4, %get3A_5] : memref<896x30xf32, #tpu.memory_space<vmem>>, vector<128x30xf32>
    %dot_general3A = arith.constant dense<0.000000e+00> : vector<1024x30xf32>
    %dot_general3A_7 = tpu.matmul %reshape3A_3, %get3A_6, %dot_general3A {dimension_numbers = #tpu.dot_dimension_numbers<[1], [0], [0], [1], [0, 0, 1, 1], [], []>, transpose_lhs_hint = false} : vector<1024x128xf32>, vector<128x30xf32>, vector<1024x30xf32> -> vector<1024x30xf32>
    %add3A = arith.addf %broadcast_in_dim3A_2, %dot_general3A_7 : vector<1024x30xf32>
    %slice3A_8 = vector.extract_strided_slice %reshape3A {offsets = [0, 1, 0, 0], sizes = [128, 1, 8, 128], strides = [1, 1, 1, 1]} : vector<128x7x8x128xf32> to vector<128x1x8x128xf32>
    %squeeze3A_9 = vector.shape_cast %slice3A_8 : vector<128x1x8x128xf32> to vector<128x8x128xf32>
    %reshape3A_10 = vector.shape_cast %squeeze3A_9 : vector<128x8x128xf32> to vector<1024x128xf32>
    %get3A_11 = arith.constant 128 : index
    %get3A_12 = arith.constant 0 : index
    %get3A_13 = vector.load %arg2[%get3A_11, %get3A_12] : memref<896x30xf32, #tpu.memory_space<vmem>>, vector<128x30xf32>
    %dot_general3A_14 = arith.constant dense<0.000000e+00> : vector<1024x30xf32>
    %dot_general3A_15 = tpu.matmul %reshape3A_10, %get3A_13, %dot_general3A_14 {dimension_numbers = #tpu.dot_dimension_numbers<[1], [0], [0], [1], [0, 0, 1, 1], [], []>, transpose_lhs_hint = false} : vector<1024x128xf32>, vector<128x30xf32>, vector<1024x30xf32> -> vector<1024x30xf32>
    %add3A_16 = arith.addf %add3A, %dot_general3A_15 : vector<1024x30xf32>
    %slice3A_17 = vector.extract_strided_slice %reshape3A {offsets = [0, 2, 0, 0], sizes = [128, 1, 8, 128], strides = [1, 1, 1, 1]} : vector<128x7x8x128xf32> to vector<128x1x8x128xf32>
    %squeeze3A_18 = vector.shape_cast %slice3A_17 : vector<128x1x8x128xf32> to vector<128x8x128xf32>
    %reshape3A_19 = vector.shape_cast %squeeze3A_18 : vector<128x8x128xf32> to vector<1024x128xf32>
    %get3A_20 = arith.constant 256 : index
    %get3A_21 = arith.constant 0 : index
    %get3A_22 = vector.load %arg2[%get3A_20, %get3A_21] : memref<896x30xf32, #tpu.memory_space<vmem>>, vector<128x30xf32>
    %dot_general3A_23 = arith.constant dense<0.000000e+00> : vector<1024x30xf32>
    %dot_general3A_24 = tpu.matmul %reshape3A_19, %get3A_22, %dot_general3A_23 {dimension_numbers = #tpu.dot_dimension_numbers<[1], [0], [0], [1], [0, 0, 1, 1], [], []>, transpose_lhs_hint = false} : vector<1024x128xf32>, vector<128x30xf32>, vector<1024x30xf32> -> vector<1024x30xf32>
    %add3A_25 = arith.addf %add3A_16, %dot_general3A_24 : vector<1024x30xf32>
    %slice3A_26 = vector.extract_strided_slice %reshape3A {offsets = [0, 3, 0, 0], sizes = [128, 1, 8, 128], strides = [1, 1, 1, 1]} : vector<128x7x8x128xf32> to vector<128x1x8x128xf32>
    %squeeze3A_27 = vector.shape_cast %slice3A_26 : vector<128x1x8x128xf32> to vector<128x8x128xf32>
    %reshape3A_28 = vector.shape_cast %squeeze3A_27 : vector<128x8x128xf32> to vector<1024x128xf32>
    %get3A_29 = arith.constant 384 : index
    %get3A_30 = arith.constant 0 : index
    %get3A_31 = vector.load %arg2[%get3A_29, %get3A_30] : memref<896x30xf32, #tpu.memory_space<vmem>>, vector<128x30xf32>
    %dot_general3A_32 = arith.constant dense<0.000000e+00> : vector<1024x30xf32>
    %dot_general3A_33 = tpu.matmul %reshape3A_28, %get3A_31, %dot_general3A_32 {dimension_numbers = #tpu.dot_dimension_numbers<[1], [0], [0], [1], [0, 0, 1, 1], [], []>, transpose_lhs_hint = false} : vector<1024x128xf32>, vector<128x30xf32>, vector<1024x30xf32> -> vector<1024x30xf32>
    %add3A_34 = arith.addf %add3A_25, %dot_general3A_33 : vector<1024x30xf32>
    %slice3A_35 = vector.extract_strided_slice %reshape3A {offsets = [0, 4, 0, 0], sizes = [128, 1, 8, 128], strides = [1, 1, 1, 1]} : vector<128x7x8x128xf32> to vector<128x1x8x128xf32>
    %squeeze3A_36 = vector.shape_cast %slice3A_35 : vector<128x1x8x128xf32> to vector<128x8x128xf32>
    %reshape3A_37 = vector.shape_cast %squeeze3A_36 : vector<128x8x128xf32> to vector<1024x128xf32>
    %get3A_38 = arith.constant 512 : index
    %get3A_39 = arith.constant 0 : index
    %get3A_40 = vector.load %arg2[%get3A_38, %get3A_39] : memref<896x30xf32, #tpu.memory_space<vmem>>, vector<128x30xf32>
    %dot_general3A_41 = arith.constant dense<0.000000e+00> : vector<1024x30xf32>
    %dot_general3A_42 = tpu.matmul %reshape3A_37, %get3A_40, %dot_general3A_41 {dimension_numbers = #tpu.dot_dimension_numbers<[1], [0], [0], [1], [0, 0, 1, 1], [], []>, transpose_lhs_hint = false} : vector<1024x128xf32>, vector<128x30xf32>, vector<1024x30xf32> -> vector<1024x30xf32>
    %add3A_43 = arith.addf %add3A_34, %dot_general3A_42 : vector<1024x30xf32>
    %slice3A_44 = vector.extract_strided_slice %reshape3A {offsets = [0, 5, 0, 0], sizes = [128, 1, 8, 128], strides = [1, 1, 1, 1]} : vector<128x7x8x128xf32> to vector<128x1x8x128xf32>
    %squeeze3A_45 = vector.shape_cast %slice3A_44 : vector<128x1x8x128xf32> to vector<128x8x128xf32>
    %reshape3A_46 = vector.shape_cast %squeeze3A_45 : vector<128x8x128xf32> to vector<1024x128xf32>
    %get3A_47 = arith.constant 640 : index
    %get3A_48 = arith.constant 0 : index
    %get3A_49 = vector.load %arg2[%get3A_47, %get3A_48] : memref<896x30xf32, #tpu.memory_space<vmem>>, vector<128x30xf32>
    %dot_general3A_50 = arith.constant dense<0.000000e+00> : vector<1024x30xf32>
    %dot_general3A_51 = tpu.matmul %reshape3A_46, %get3A_49, %dot_general3A_50 {dimension_numbers = #tpu.dot_dimension_numbers<[1], [0], [0], [1], [0, 0, 1, 1], [], []>, transpose_lhs_hint = false} : vector<1024x128xf32>, vector<128x30xf32>, vector<1024x30xf32> -> vector<1024x30xf32>
    %add3A_52 = arith.addf %add3A_43, %dot_general3A_51 : vector<1024x30xf32>
    %slice3A_53 = vector.extract_strided_slice %reshape3A {offsets = [0, 6, 0, 0], sizes = [128, 1, 8, 128], strides = [1, 1, 1, 1]} : vector<128x7x8x128xf32> to vector<128x1x8x128xf32>
    %squeeze3A_54 = vector.shape_cast %slice3A_53 : vector<128x1x8x128xf32> to vector<128x8x128xf32>
    %reshape3A_55 = vector.shape_cast %squeeze3A_54 : vector<128x8x128xf32> to vector<1024x128xf32>
    %get3A_56 = arith.constant 768 : index
    %get3A_57 = arith.constant 0 : index
    %get3A_58 = vector.load %arg2[%get3A_56, %get3A_57] : memref<896x30xf32, #tpu.memory_space<vmem>>, vector<128x30xf32>
    %dot_general3A_59 = arith.constant dense<0.000000e+00> : vector<1024x30xf32>
    %dot_general3A_60 = tpu.matmul %reshape3A_55, %get3A_58, %dot_general3A_59 {dimension_numbers = #tpu.dot_dimension_numbers<[1], [0], [0], [1], [0, 0, 1, 1], [], []>, transpose_lhs_hint = false} : vector<1024x128xf32>, vector<128x30xf32>, vector<1024x30xf32> -> vector<1024x30xf32>
    %add3A_61 = arith.addf %add3A_52, %dot_general3A_60 : vector<1024x30xf32>
    %get3A_62 = arith.constant 0 : index
    %get3A_63 = arith.constant 0 : index
    %get3A_64 = vector.load %arg3[%get3A_62, %get3A_63] : memref<1x30xf32, #tpu.memory_space<vmem>>, vector<1x30xf32>
    %add3A_65 = vector.broadcast %get3A_64 : vector<1x30xf32> to vector<1024x30xf32>
    %add3A_66 = arith.addf %add3A_61, %add3A_65 : vector<1024x30xf32>
    %max3A = arith.constant 0.000000e+00 : f32
    %max3A_67 = vector.broadcast %max3A : f32 to vector<1024x30xf32>
    %max3A_68 = arith.maximumf %add3A_66, %max3A_67 : vector<1024x30xf32>
    %swap3A = arith.constant 0 : index
    %swap3A_69 = arith.constant 0 : index
    %swap3A_70 = vector.load %arg4[%swap3A, %swap3A_69] : memref<1024x30xf32, #tpu.memory_space<vmem>>, vector<1024x30xf32>
    tpu.vector_store %arg4[%swap3A, %swap3A_69], %max3A_68 {strides = array<i32>} : memref<1024x30xf32, #tpu.memory_space<vmem>>, vector<1024x30xf32>,
    return
  }
  func.func @transform_0(%arg0: i32) -> (i32, i32) {
    %c0_i32 = arith.constant 0 : i32
    %c0_i32_0 = arith.constant 0 : i32
    return %arg0, %c0_i32 : i32, i32
  }
  func.func @transform_1(%arg0: i32) -> (i32, i32) {
    %c0_i32 = arith.constant 0 : i32
    %c0_i32_0 = arith.constant 0 : i32
    %c0_i32_1 = arith.constant 0 : i32
    return %c0_i32, %c0_i32_0 : i32, i32
  }
  func.func @transform_2(%arg0: i32) -> (i32, i32) {
    %c0_i32 = arith.constant 0 : i32
    %c0_i32_0 = arith.constant 0 : i32
    %c0_i32_1 = arith.constant 0 : i32
    return %c0_i32, %c0_i32_0 : i32, i32
  }
  func.func @transform_3(%arg0: i32) -> (i32, i32) {
    %c0_i32 = arith.constant 0 : i32
    %c0_i32_0 = arith.constant 0 : i32
    return %arg0, %c0_i32 : i32, i32
  }
}

</mosaic_0001>

<sc_bundles>
// kernel: kernel.5.cloned.1.call-start
scs
__scs_entry_jumppad:
0x0: {  	(pc) =	sbr.rel $0x88, $3  }
0x1: {  	(tag) =	ssettag $0x0;
	lr =	simm.s32 $0x1  }
0x2: {  	[smem:$0x3F9D] =	sst lr;
	_ =	strace $0xD0000000  }
0x3: {  	_ = 	snop  }
0x4: {  	_ = 	snop  }
0x5: {  	_ = 	snop  }
0x6: {  	_ = 	snop  }
0x7: {  	_ = 	snop  }
__scs_overlays_trampoline_lowered:
0x8: {  	[smem:$0x3FAC] =	sst s0  }
0x9: {  	[smem:$0x3FAD] =	sst s1  }
0xa: {  	[smem:$0x3FAE] =	sst s2  }
0xb: {  	[smem:$0x3FAF] =	sst s3  }
0xc: {  	[smem:$0x3FB0] =	sst s4  }
0xd: {  	[smem:$0x3FB1] =	sst s5  }
0xe: {  	[smem:$0x3FB2] =	sst s6  }
0xf: {  	[smem:$0x3FB3] =	sst s7  }
0x10: {  	[smem:$0x3FB4] =	sst s8  }
0x11: {  	[smem:$0x3FB5] =	sst s9;
	s0 =	simm.s32 @!p0 $0x0  }
0x12: {  	s1 =	sld [smem:$0x3F9B];
	s0 =	simm.s32 @p0 $0x1  }
0x13: {  	[smem:$0x3FB6] =	sst s0;
	s0 =	simm.s32 @!p1 $0x0  }
0x14: {  	s2 =	sld [smem:$0x3F9A];
	s0 =	simm.s32 @p1 $0x1  }
0x15: {  	[smem:$0x3FB7] =	sst s0;
	s0 =	simm.s32 @!p2 $0x0  }
0x16: {  	s3 =	sld [smem:$0x3FDB];
	s0 =	simm.s32 @p2 $0x1  }
0x17: {  	s4 =	simm.s32 $0x1BF5;
	[smem:$0x3FB9] =	sst s0  }
0x18: {  	s0 =	sld [smem:$0x3F9C];
	_ =	swait.ge [sflag:s4], $0x0  }
0x19: {  	s7 =	sld [smem:$0x3F9D]  }
0x1a: {  	s8 =	sadd.s32 $0xFFFFE003, lr  }
0x1b: {  	s9 =	sadd.s32 $0xFFFFFEF7, lr;
	s5 =	simm.s32 $0xFFFFFFFF;
	p2 =	slt.u32 s8, $0xFFFFF086  }
0x1c: {  	p1 =	slt.u32 s9, $0xF7A;
	s5 =	simm.s32 @!p2 $0x0  }
0x1d: {  	s5 =	simm.s32 @p1 $0x1;
	p0 =	seq.s32 s7, s2  }
0x1e: {  	s7 =	smul.u32 @!p0 $0xF7A, s2;
	p2 =	seq.s32 @!p0 s5, $0x0  }
0x1f: {  	s9 =	smul.u32 $0xF7A, s1;
	s8 =	simm.s32 @!p0 $0x1BF5;
	p2 =	por !p2, p0  }
0x20: {  	[sflag:s8] =	ssyncset.s32 @!p0 $0xFFFFF086;
	s6 =	sadd.s32 @!p0 s3, s7;
	s7 =	simm.s32 @!p0 $0x108  }
0x21: {  	s3 =	sadd.s32 s3, s9;
	s6 =	sadd.s32 @!p0 $0x88, s6;
	s7 =	simm.s32 @p2 $0x1082  }
0x22: {  	[simem:s7], [sflag:s8] =	dma.local @!p0 [hbm:s6], $0xF7A  }
0x23: {  	s9 =	sor.u32 $0xD0000000, s2;
	s6 =	simm.s32 $0x108;
	_ =	swait.ge @!p0 [sflag:s8], $0x0  }
0x24: {  	s3 =	sadd.s32 $0x88, s3;
	s6 =	simm.s32 @!p1 $0x1082;
	[sflag:s4] =	ssyncset.s32 $0xFFFFF086  }
0x25: {  	[simem:s6], [sflag:s4] =	dma.local [hbm:s3], $0xF7A  }
0x26: {  	[smem:$0x3F9D] =	sst s1;
	(tag) =	ssettag s2;
	_ =	strace s9  }
0x27: {  	s1 =	sld [smem:$0x3FAD]  }
0x28: {  	s2 =	sld [smem:$0x3FAE]  }
0x29: {  	s4 =	sld [smem:$0x3FB0]  }
0x2a: {  	p0 =	seq.s32 s5, $0x0;
	s5 =	sld [smem:$0x3FB1]  }
0x2b: {  	s6 =	sld [smem:$0x3FB2]  }
0x2c: {  	s7 =	sld [smem:$0x3FB3]  }
0x2d: {  	s3 =	simm.s32 $0x108;
	s8 =	sld [smem:$0x3FB4]  }
0x2e: {  	s3 =	simm.s32 @!p0 $0x1082;
	s9 =	sld [smem:$0x3FB5]  }
0x2f: {  	lr =	sadd.s32 s0, s3;
	s0 =	sld [smem:$0x3FAC]  }
0x30: {  	s3 =	sld [smem:$0x3FAF]  }
0x31: {  	[smem:$0x3FB8] =	sst s10  }
0x32: {  	s10 =	sld [smem:$0x3FB6];
	_ =	sdelay $0x3  }
0x33: {  	p0 =	seq.s32 s10, $0x1;
	s10 =	sld [smem:$0x3FB8];
	_ =	sdelay $0x3  }
0x34: {  	[smem:$0x3FB8] =	sst s10  }
0x35: {  	s10 =	sld [smem:$0x3FB7];
	_ =	sdelay $0x3  }
0x36: {  	p1 =	seq.s32 s10, $0x1;
	s10 =	sld [smem:$0x3FB8];
	_ =	sdelay $0x3  }
0x37: {  	[smem:$0x3FB8] =	sst s10  }
0x38: {  	s10 =	sld [smem:$0x3FB9]  }
0x39: {  	_ = 	snop;
	(pc) =	sbr.ind lr, $3  }
0x3a: {  	_ = 	snop  }
0x3b: {  	_ = 	snop  }
0x3c: {  	p2 =	seq.s32 s10, $0x1;
	s10 =	sld [smem:$0x3FB8]  }
0x3d: {  	_ =	shalt  }
0x3e: {  	_ =	shalt  }
0x3f: {  	_ =	shalt  }
0x40: {  	_ =	shalt  }
0x41: {  	_ =	shalt  }
0x42: {  	_ =	shalt  }
0x43: {  	_ =	shalt  }
0x44: {  	_ =	shalt  }
0x45: {  	_ =	shalt  }
0x46: {  	_ =	shalt  }
0x47: {  	_ =	shalt  }
0x48: {  	_ =	shalt  }
0x49: {  	_ =	shalt  }
0x4a: {  	_ =	shalt  }
0x4b: {  	_ =	shalt  }
0x4c: {  	_ =	shalt  }
0x4d: {  	_ =	shalt  }
0x4e: {  	_ =	shalt  }
0x4f: {  	_ =	shalt  }
0x50: {  	_ =	shalt  }
0x51: {  	_ =	shalt  }
0x52: {  	_ =	shalt  }
0x53: {  	_ =	shalt  }
0x54: {  	_ =	shalt  }
0x55: {  	_ =	shalt  }
0x56: {  	_ =	shalt  }
0x57: {  	_ =	shalt  }
0x58: {  	_ =	shalt  }
0x59: {  	_ =	shalt  }
0x5a: {  	_ =	shalt  }
0x5b: {  	_ =	shalt  }
0x5c: {  	_ =	shalt  }
0x5d: {  	_ =	shalt  }
0x5e: {  	_ =	shalt  }
0x5f: {  	_ =	shalt  }
0x60: {  	_ =	shalt  }
0x61: {  	_ =	shalt  }
0x62: {  	_ =	shalt  }
0x63: {  	_ =	shalt  }
0x64: {  	_ =	shalt  }
0x65: {  	_ =	shalt  }
0x66: {  	_ =	shalt  }
0x67: {  	_ =	shalt  }
0x68: {  	_ =	shalt  }
0x69: {  	_ =	shalt  }
0x6a: {  	_ =	shalt  }
0x6b: {  	_ =	shalt  }
0x6c: {  	_ =	shalt  }
0x6d: {  	_ =	shalt  }
0x6e: {  	_ =	shalt  }
0x6f: {  	_ =	shalt  }
0x70: {  	_ =	shalt  }
0x71: {  	_ =	shalt  }
0x72: {  	_ =	shalt  }
0x73: {  	_ =	shalt  }
0x74: {  	_ =	shalt  }
0x75: {  	_ =	shalt  }
0x76: {  	_ =	shalt  }
0x77: {  	_ =	shalt  }
0x78: {  	_ =	shalt  }
0x79: {  	_ =	shalt  }
0x7a: {  	_ =	shalt  }
0x7b: {  	_ =	shalt  }
0x7c: {  	_ =	shalt  }
0x7d: {  	_ =	shalt  }
0x7e: {  	_ =	shalt  }
0x7f: {  	_ =	shalt  }
0x80: {  	_ =	shalt  }
0x81: {  	_ =	shalt  }
0x82: {  	_ =	shalt  }
0x83: {  	_ =	shalt  }
0x84: {  	_ =	shalt  }
0x85: {  	_ =	shalt  }
0x86: {  	_ =	shalt  }
0x87: {  	_ =	shalt  }
.Lfunc_end0:
.L_simem_size_0:
called_computation_lowered:
.L_overlay_start_0:
0x88: {  	s2 =	sld [smem:$0x3FD9]  }
0x89: {  	s3 =	sld [smem:$0x3FFE];
	_ =	sdelay $0x1  }
0x8a: {  	s1 =	srdreg.scid  }
0x8b: {  	s0 =	sand.u32 $0x1, s1  }
0x8c: {  	s17 =	sshll.u32 s0, $0xA;
	s2 =	sadd.s32 s3, s2  }
0x8d: {  	s2 =	sadd.s32 s2, s17  }
0x8e: {  	[smem:$0x3FC4] =	sst s2  }
0x8f: {  	_ = 	snop  }
0x90: {  	s2 =	sld [smem:$0x3FC8];
	(tm) =	ssettm $0x1  }
0x91: {  	s18 =	sld [smem:$0x3FFB];
	_ =	sdelay $0x3  }
0x92: {  	_ =	strace s18  }
0x93: {  	s3 =	sld [smem:$0x3FFC];
	_ =	sdelay $0x3  }
0x94: {  	_ =	strace s3  }
0x95: {  	s3 =	sld [smem:$0x3FFD];
	_ =	sdelay $0x3  }
0x96: {  	_ =	strace s3  }
0x97: {  	_ =	strace $0x8FFFFFFF  }
0x98: {  	s19 =	sld [smem:$0x3FDB];
	_ =	sdelay $0x1  }
0x99: {  	s4 =	simm.s32 $_scs_section_size  }
0x9a: {  	s5 =	simm.s32 $_size__tile_overlayer_lowered;
	s6 =	simm.s32 $_tile_overlayer_lowered  }
0x9b: {  	s22 =	simm.s32 $0x1BFF;
	s21 =	sshll.u32 s6, $0x1;
	s3 =	sadd.s32 s4, s19  }
0x9c: {  	s7 =	simm.s32 $0x0;
	s20 =	sshll.u32 s5, $0x1;
	s5 =	sadd.s32 s21, s3  }
0x9d: {  	[timem:s7], [sflag:s22] =	dma.local [hbm:s5], s20  }
0x9e: {  	_ =	swait.ge [sflag:s22], s20  }
0x9f: {  	s4 =	ssub.s32 $0x0, s20;
	[sflag:s22] =	ssyncset.done $0x0  }
0xa0: {  	[sflag:s22] =	ssyncadd.s32 s4;
	_ =	sdelay $0x1  }
0xa1: {  	s23 =	simm.s32 $0x1B8B  }
0xa2: {  	_ =	swait.ge [sflag:s23], $0x1  }
0xa3: {  	[sflag:s23] =	ssyncset.done $0x0  }
0xa4: {  	s25 =	simm.s32 $0x1B8E;
	s24 =	sld [smem:$0x3FFE];
	[sflag:s23] =	ssyncadd.s32 $0xFFFFFFFF  }
0xa5: {  	s26 =	simm.s32 $execute0_lowered;
	[smem:$0x3FD2] =	sst s25  }
0xa6: {  	s5 =	sshll.u32 s26, $0x1;
	_ =	strace $0x80000046;
	[dreg:$0x1] =	wrdreg $0xFFFFFFFF  }
0xa7: {  	s28 =	simm.s32 $_size_execute0_lowered;
	s3 =	sadd.s32 s3, s5;
	[dreg:$0x0] =	wrdreg $0x0  }
0xa8: {  	s5 =	sshll.u32 s28, $0x1;
	[dreg:$0x2] =	wrdreg s3  }
0xa9: {  	[dreg:$0x3] =	wrdreg s5  }
0xaa: {  	[dreg:$0x4] =	wrdreg $0xC0  }
0xab: {  	_ =	task [dreg:s7], $0x5FFFF  }
0xac: {  	[dreg:$0x1] =	wrdreg $0xFFFFFFFF  }
0xad: {  	[dreg:$0x0] =	wrdreg $0x60  }
0xae: {  	[dreg:$0x2] =	wrdreg s2  }
0xaf: {  	[dreg:$0x3] =	wrdreg s24  }
0xb0: {  	[dreg:$0x4] =	wrdreg $0x9  }
0xb1: {  	_ =	task.clear_ibuf [dreg:s7], $0x5FFFF;
	_ =	strace $0x90000046  }
0xb2: {  	s29 =	simm.s32 $0x9;
	_ =	strace $0x80000048  }
0xb3: {  	_ =	swait.ge [sflag:s29], $0x1  }
0xb4: {  	[sflag:s29] =	ssyncadd.s32 $0xFFFFFFFF  }
0xb5: {  	_ =	strace $0x90000048  }
0xb6: {  	_ =	sfence  }
0xb7: {  	s30 =	sld [smem:$0x0];
	_ =	sdelay $0x2  }
0xb8: {  	s31 =	sshll.u32 s1, $0xD;
	s1 =	sshrl.u32 s1, $0x2  }
0xb9: {  	s3 =	sand.u32 $0x4000, s31;
	s1 =	sadd.s32 s1, s30  }
0xba: {  	s0 =	sor.u32 s3, s0;
	s1 =	sshll.u32 s1, $0x11  }
0xbb: {  	s0 =	sor.u32 s1, s0  }
0xbc: {  	s0 =	sadd.s32 $0x8F2B, s0  }
0xbd: {  	[sflag:s0] =	ssyncadd.remote.s32 $0x1  }
0xbe: {  	_ =	sfence.sel $0xFFFF  }
0xbf: {  	[dreg:$0x0] =	wrdreg $0xFFFFFFFF;
	(pc) =	sbr.abs _section_cstart, $3  }
0xc0: {  	[dreg:$0x1] =	wrdreg $0xFFFFFFFF  }
0xc1: {  	_ =	task.clear_ibuf [dreg:s7], $0x2FFFF;
	_ =	strace $0x9FFFFFFF  }
0xc2: {  	(tm) =	ssettm $0x7FFFFFFF  }
0xc3: {  	_ =	shalt  }
tec
execute0_lowered:
.L_overlay_start_1:
0x0: {  	(tag) =	ssettag $0x1  }
0x1: {  	s1 =	rddreg [dreg:$0x0]  }
0x2: {  	s8 =	rddreg [dreg:$0x1]  }
0x3: {  	s0 =	rddreg [dreg:$0x2]  }
0x4: {  	s3 =	simm.s32 $0x0;
	s4 =	srdreg.scid;
	s2 =	stileid.u32  }
0x5: {  	s10 =	simm.s32 $0x400;
	s11 =	simm.s32 $0x46D000;
	s12 =	simm.s32 $0x1  }
0x6: {  	s13 =	simm.s32 $0x4000;
	s14 =	simm.s32 $0x2;
	s15 =	simm.s32 $0x0  }
0x7: {  	[smem:$0x7FF] =	sst s3;
	s5 =	sand.u32 $0x1, s4;
	s6 =	sshll.u32 s2, $0x1  }
.Ltmp0:
0x8: {  	s4 =	sadd.s32 $0xE00, s8;
	_ =	strace $0x80000047;
	(pc) =	sbr.rel .LBB2_1-.Ltmp0, $4  }
0x9: {  	s7 =	ssub.s32 $0x2, s5;
	s5 =	sor.u32 s5, s6;
	s6 =	sadd.s32 $0x1000, s8  }
0xa: {  	s8 =	sadd.s32 $0x237600, s8;
	s9 =	sshrl.u32 s7, $0x1;
	p0 =	sgt.u32 s5, $0x12  }
0xb: {  	v0 =	vlaneseq.u32;
	s31 =	sshll.u32 s5, $0x7;
	s9 =	ssub.s32 s7, s9;
	p1 =	sne.s32 @!p0 s5, $0x0  }
0xc: {  	v0 =	vmul.u32 $0x21, v0;
	s7 =	sadd.s32 s1, s31;
	s9 =	smax.u32 s9, $0x1;
	p1 =	por p1, p0  }
.LBB2_11:
0xd: {  	_ =	swait.ge [sflag:s14], $0x1000  }
0xe: {  	[sflag:s14] =	ssyncset.done $0x0  }
0xf: {  	s16 =	simm.s32 @!p0 $0x2;
	[sflag:s14] =	ssyncadd.s32 $0xFFFFF000  }
0x10: {  	_ =	swait.ge @!p0 [sflag:s16], $0x1000  }
0x11: {  	s17 =	simm.s32 @!p1 $0x5080;
	[sflag:s16] =	ssyncset.done @!p0 $0x0  }
0x12: {  	s18 =	simm.s32 @!p1 $0x3;
	[sflag:s16] =	ssyncadd.s32 @!p0 $0xFFFFF000;
	s16 =	simm.s32 @!p1 $0x0  }
0x13: {  	[tilespmem:s17], [sflag:$0x3] =	stream.linear.gather @!p1 [hbm4b:s4+s16], $0x400, $0x38;
	[tilespmem:$0x5480] =	vst v63  }
0x14: {  	s15 =	sadd.s32 $0x1, s15;
	_ =	swait.ge @!p1 [sflag:s18], $0x400  }
0x15: {  	p2 =	sne.s32 s15, s9;
	[sflag:s18] =	ssyncset.done @!p1 $0x0  }
.Ltmp1:
0x16: {  	[sflag:s18] =	ssyncadd.s32 @!p1 $0xFFFFFC00;
	(pc) =	sbr.rel @!p2 .LBB2_12-.Ltmp1, $4  }
0x17: {  	[hbm4b:s8+s16] =	stream.linear.scatter @!p1 [tilespmem:s17], [sflag:$0x3], $0x400, $0x38;
	[tilespmem:$0x5480] =	vst v63  }
0x18: {  	_ =	swait.ge @!p1 [sflag:s18], $0x400  }
0x19: {  	[sflag:s18] =	ssyncset.done @!p1 $0x0  }
0x1a: {  	[sflag:s18] =	ssyncadd.s32 @!p1 $0xFFFFFC00  }
.LBB2_1:
.Ltmp2:
0x1b: {  	(pc) =	sbr.rel .LBB2_2-.Ltmp2, $3  }
0x1c: {  	_ =	sdelay $0x1  }
0x1d: {  	[tilespmem:s3], [sflag:$0x1] =	stream.strided.gather [hbm4b:s7+s10], $0x1000, s11, s10, $0x38;
	[tilespmem:$0x5480] =	vst v63  }
0x1e: {  	s16 =	simm.s32 $0x0;
	s19 =	simm.s32 $0x0  }
.LBB2_10:
0x1f: {  	p2 =	sne.s32 s17, $0x8E  }
.Ltmp3:
0x20: {  	_ = 	snop;
	(pc) =	sbr.rel @!p2 .LBB2_11-.Ltmp3, $2  }
0x21: {  	_ =	sdelay $0x2  }
0x22: {  	s16 =	sxor.u32 $0x1, s16;
	s19 =	smov.u32 s17  }
.LBB2_2:
0x23: {  	s17 =	sadd.s32 $0x1, s19  }
0x24: {  	s18 =	sshll.u32 s17, $0x5  }
0x25: {  	s31 =	sshll.u32 s19, $0x5;
	s20 =	sor.u32 s5, s18  }
0x26: {  	s18 =	sor.u32 s5, s31;
	p2 =	sgt.u32 s20, $0x11B2  }
0x27: {  	s21 =	sshll.u32 @!p2 s16, $0xC;
	s20 =	sshll.u32 @!p2 s20, $0x7;
	s22 =	simm.s32 @!p2 $0x400  }
0x28: {  	s23 =	simm.s32 @!p2 $0x46D000;
	s21 =	ssub.s32 @!p2 $0x1000, s21;
	s20 =	sadd.s32 @!p2 s1, s20  }
0x29: {  	[tilespmem:s21], [sflag:$0x1] =	stream.strided.gather @!p2 [hbm4b:s20+s22], $0x1000, s23, s22, $0x38;
	[tilespmem:$0x5480] =	vst v63  }
0x2a: {  	p2 =	sgt.u32 s18, $0x11B2  }
.Ltmp4:
0x2b: {  	_ = 	snop;
	(pc) =	sbr.rel @p2 .LBB2_10-.Ltmp4, $1  }
0x2c: {  	_ =	sdelay $0x3  }
0x2d: {  	_ =	swait.ge [sflag:s12], $0x1000  }
0x2e: {  	p2 =	slt.u32 s19, $0x2;
	[sflag:s12] =	ssyncset.done $0x0  }
0x2f: {  	s19 =	simm.s32 @!p2 $0x2;
	[sflag:s12] =	ssyncadd.s32 $0xFFFFF000  }
0x30: {  	s26 =	simm.s32 $0x0;
	_ =	swait.ge @!p2 [sflag:s19], $0x1000  }
0x31: {  	s20 =	sshll.u32 s16, $0xC;
	s21 =	sand.u32 $0x60, s26;
	[sflag:s19] =	ssyncset.done @!p2 $0x0  }
0x32: {  	[sflag:s19] =	ssyncadd.s32 @!p2 $0xFFFFF000;
	s19 =	sand.u32 $0x3FFFF000, s20;
	s20 =	sor.u32 $0x10, s21  }
0x33: {  	v2 =	vmov s20  }
0x34: {  	s22 =	simm.s32 $0x20;
	v1 =	vmov s21;
	v2 =	vmul.u32 $0x21, v2  }
0x35: {  	s23 =	simm.s32 $0x0;
	s25 =	simm.s32 $0x0;
	s24 =	sand.u32 $0x60, s22;
	v1 =	vmul.u32 $0x21, v1  }
0x36: {  	s29 =	sand.u32 $0x3FFFFF80, s23;
	s26 =	sor.u32 $0x10, s24;
	v2 =	vadd.s32 s25, v2  }
0x37: {  	v4 =	vmov s26;
	v1 =	vadd.s32 s25, v1;
	s22 =	sadd.s32 s29, s19;
	v2 =	vbroadcast v2, $0x0  }
0x38: {  	s30 =	simm.s32 $0x20;
	v3 =	vmov s24;
	v4 =	vmul.u32 $0x21, v4;
	v6 =	vbroadcast v1, $0x0;
	s28 =	sadd.s32 s20, s22  }
0x39: {  	s23 =	sand.u32 $0x3FFFFF80, s30;
	v5 =	vmul.u32 $0x21, v3;
	s29 =	simm.s32 $0x0;
	s21 =	sadd.s32 s21, s22;
	v1 =	vld [tilespmem:s28+$0x0];
	v3 =	vadd.s32 v0, v2  }
0x3a: {  	s31 =	simm.s32 $0x40;
	s20 =	simm.s32 $0x4;
	v7 =	vadd.s32 s29, v4;
	v4 =	vadd.s32 v0, v6;
	s25 =	sadd.s32 s23, s19;
	v2 =	vld [tilespmem:s21+$0x0]  }
0x3b: {  	s22 =	sand.u32 $0x3FFFFF80, s31;
	v5 =	vadd.s32 s29, v5;
	s23 =	sadd.s32 s26, s25;
	s26 =	simm.s32 $0x40  }
0x3c: {  	v5 =	vbroadcast v5, $0x0;
	v6 =	vbroadcast v7, $0x0;
	s28 =	simm.s32 $0x4;
	s21 =	sadd.s32 s22, s19;
	s22 =	sand.u32 $0x60, s26  }
.LBB2_4:
0x3d: {  	s20 =	sadd.s32 $0x2, s20  }
0x3e: {  	s29 =	sor.u32 $0x10, s22;
	s24 =	sadd.s32 s24, s25;
	[tilespmem:v3+s13+$0x0] =	vst.idx.msk $0xffff, v1;
	v1 =	vld [tilespmem:s23+$0x0];
	p2 =	slt.u32 s20, $0xFE  }
.Ltmp5:
0x3f: {  	v7 =	vmov s22;
	s25 =	sshll.u32 s20, $0x4;
	s23 =	sadd.s32 s29, s21;
	v8 =	vmov s29;
	v3 =	vadd.s32 v0, v6;
	[tilespmem:v4+s13+$0x0] =	vst.idx.msk $0xffff, v2;
	v2 =	vld [tilespmem:s24+$0x0];
	(pc) =	sbr.rel @p2 .LBB2_4-.Ltmp5, $4  }
0x40: {  	v6 =	vmul.u32 $0x21, v7;
	v4 =	vadd.s32 v0, v5;
	s24 =	sand.u32 $0x3FFFFF80, s25;
	v7 =	vmul.u32 $0x21, v8;
	s25 =	smov.u32 s21  }
0x41: {  	s21 =	sadd.s32 s24, s19;
	s24 =	sshrl.u32 s28, $0x3;
	s28 =	smov.u32 s20  }
0x42: {  	s26 =	sadd.s32 $0x20, s26;
	v5 =	vadd.s32 s24, v6;
	v6 =	vadd.s32 s24, v7;
	s24 =	smov.u32 s22  }
0x43: {  	s22 =	sand.u32 $0x60, s26;
	v5 =	vbroadcast v5, $0x0;
	v6 =	vbroadcast v6, $0x0  }
0x44: {  	s19 =	sor.u32 $0x10, s22;
	v8 =	vmov s22  }
0x45: {  	v7 =	vmov s19;
	v8 =	vmul.u32 $0x21, v8  }
0x46: {  	s20 =	sshrl.u32 s28, $0x3;
	v7 =	vmul.u32 $0x21, v7  }
0x47: {  	v8 =	vadd.s32 s20, v8  }
0x48: {  	s24 =	sadd.s32 s24, s25;
	v9 =	vld [tilespmem:s23+$0x0];
	v6 =	vadd.s32 v0, v6;
	v7 =	vadd.s32 s20, v7;
	v8 =	vbroadcast v8, $0x0  }
0x49: {  	s26 =	sadd.s32 s22, s21;
	v10 =	vld [tilespmem:s24+$0x0];
	v5 =	vadd.s32 v0, v5;
	v7 =	vbroadcast v7, $0x0  }
0x4a: {  	[tilespmem:v3+s13+$0x0] =	vst.idx.msk $0xffff, v1;
	s19 =	sadd.s32 s19, s21;
	v1 =	vld [tilespmem:s26+$0x0];
	v3 =	vadd.s32 v0, v8  }
0x4b: {  	v11 =	vld [tilespmem:s19+$0x0];
	v7 =	vadd.s32 v0, v7  }
0x4c: {  	[tilespmem:v4+s13+$0x0] =	vst.idx.msk $0xffff, v2  }
0x4d: {  	[tilespmem:v6+s13+$0x0] =	vst.idx.msk $0xffff, v9  }
0x4e: {  	[tilespmem:v5+s13+$0x0] =	vst.idx.msk $0xffff, v10  }
0x4f: {  	s29 =	sshll.u32 s16, $0x7;
	[tilespmem:v3+s13+$0x0] =	vst.idx.msk $0xffff, v1  }
0x50: {  	s31 =	simm.s32 $0x4021;
	s30 =	sand.u32 $0x80, s29;
	[tilespmem:v7+s13+$0x0] =	vst.idx.msk $0xffff, v11  }
0x51: {  	v1 =	vmov s30;
	v3 =	vld [tilespmem:s31+$0xFFFFFFDF]  }
0x52: {  	s23 =	simm.s32 $0x0  }
0x53: {  	s24 =	simm.s32 $0x0;
	s20 =	sand.u32 $0x1F00, s23;
	v4 =	vld [tilespmem:s31+$0x0]  }
0x54: {  	s21 =	sand.u32 $0x40, s24;
	s26 =	sor.u32 $0x2000, s20  }
0x55: {  	s22 =	simm.s32 $0x20;
	s20 =	simm.s32 $0x4063;
	s19 =	sor.u32 s21, s26  }
0x56: {  	s29 =	sand.u32 $0x60, s22;
	v2 =	vld [tilespmem:s20+$0xFFFFFFDF];
	[tilespmem:v1+s19+$0x0 ss:$0x1] =	vst.idx.msk $0xffff, v3  }
0x57: {  	s22 =	simm.s32 $0x2;
	s23 =	simm.s32 $0x80;
	s21 =	sor.u32 s29, s26;
	v3 =	vld [tilespmem:s31+$0xFFFFFFEF]  }
0x58: {  	s24 =	simm.s32 $0x60;
	s28 =	sand.u32 $0x1F00, s23;
	s26 =	simm.s32 $0x40;
	v5 =	vld [tilespmem:s20+$0x0];
	[tilespmem:v1+s21+$0x0 ss:$0x1] =	vst.idx.msk $0xffff, v4  }
0x59: {  	s30 =	sand.u32 $0x40, s26;
	v4 =	vld [tilespmem:s31+$0x10];
	s31 =	sor.u32 $0x2000, s28;
	s28 =	sand.u32 $0x60, s24  }
0x5a: {  	s26 =	simm.s32 $0x40A5;
	s25 =	sor.u32 s30, s31;
	s28 =	sor.u32 s28, s31  }
.LBB2_6:
0x5b: {  	s22 =	sadd.s32 $0x2, s22  }
0x5c: {  	[tilespmem:v1+s25+$0x0 ss:$0x1] =	vst.idx.msk $0xffff, v2;
	v2 =	vld [tilespmem:s26+$0xFFFFFFDF];
	v6 =	vmov v3;
	s29 =	smov.u32 s20;
	s20 =	smov.u32 s26;
	p2 =	slt.u32 s22, $0x7E  }
.Ltmp6:
0x5d: {  	s24 =	sadd.s32 $0x40, s24;
	s23 =	sadd.s32 $0x80, s23;
	v3 =	vld [tilespmem:s29+$0xFFFFFFEF];
	[tilespmem:v1+s28+$0x0 ss:$0x1] =	vst.idx.msk $0xffff, v5;
	(pc) =	sbr.rel @p2 .LBB2_6-.Ltmp6, $4  }
0x5e: {  	v5 =	vld [tilespmem:s26+$0x0];
	[tilespmem:v1+s21+$0x10 ss:$0x1] =	vst.idx.msk $0xffff, v4;
	s21 =	smov.u32 s28  }
0x5f: {  	s30 =	sand.u32 $0x1F00, s23;
	s28 =	sadd.s32 $0xFFFFFFE0, s24;
	v4 =	vld [tilespmem:s29+$0x10];
	[tilespmem:v1+s19+$0x10 ss:$0x1] =	vst.idx.msk $0xffff, v6;
	s19 =	smov.u32 s25  }
0x60: {  	s25 =	sand.u32 $0x40, s28;
	s28 =	sor.u32 $0x2000, s30;
	s29 =	sand.u32 $0x60, s24  }
0x61: {  	s26 =	sadd.s32 $0x42, s26;
	s25 =	sor.u32 s25, s28;
	s28 =	sor.u32 s29, s28  }
0x62: {  	_ =	sdelay $0x3  }
0x63: {  	[tilespmem:v1+s25+$0x0 ss:$0x1] =	vst.idx.msk $0xffff, v2  }
0x64: {  	[tilespmem:v1+s28+$0x0 ss:$0x1] =	vst.idx.msk $0xffff, v5;
	v63 =	vld [tilespmem:s20+$0xFFFFFFEF]  }
0x65: {  	v2 =	vld [tilespmem:s20+$0x10];
	_ =	sdelay $0x1  }
0x66: {  	s30 =	sshll.u32 s16, $0x9;
	[tilespmem:v1+s19+$0x10 ss:$0x1] =	vst.idx.msk $0xffff, v3  }
0x67: {  	s18 =	sshll.u32 s18, $0x9;
	s31 =	sshra.s32 s30, $0x2;
	[tilespmem:v1+s21+$0x10 ss:$0x1] =	vst.idx.msk $0xffff, v4  }
0x68: {  	s18 =	sadd.s32 s6, s18;
	s19 =	sadd.s32 $0x2000, s31;
	[tilespmem:v1+s25+$0x10 ss:$0x1] =	vst.idx.msk $0xffff, v63  }
0x69: {  	s20 =	simm.s32 $0x10;
	s22 =	sadd.s32 $0x0, s18;
	s21 =	sadd.s32 $0x100, s19;
	[tilespmem:v1+s28+$0x10 ss:$0x1] =	vst.idx.msk $0xffff, v2  }
.LBB2_8:
0x6a: {  	[hbm4b:s22+s3] =	stream.linear.scatter [tilespmem:s19], [sflag:$0x2], $0x80, $0x38;
	[tilespmem:$0x5480] =	vst v63  }
0x6b: {  	s22 =	smov.u32 s20;
	s19 =	smov.u32 s21;
	p2 =	sne.s32 s20, $0x1F0  }
.Ltmp7:
0x6c: {  	s20 =	sadd.s32 $0x10, s20;
	(pc) =	sbr.rel @p2 .LBB2_8-.Ltmp7, $2  }
0x6d: {  	_ =	sdelay $0x2  }
0x6e: {  	s21 =	sadd.s32 $0x100, s21;
	s22 =	sadd.s32 s22, s18  }
.Ltmp8:
0x6f: {  	(pc) =	sbr.rel .LBB2_10-.Ltmp8, $2  }
0x70: {  	_ =	sdelay $0x2  }
0x71: {  	[hbm4b:s22+s3] =	stream.linear.scatter [tilespmem:s19], [sflag:$0x2], $0x80, $0x38;
	[tilespmem:$0x5480] =	vst v63  }
.LBB2_12:
0x72: {  	_ =	sfence.sel $0x180000  }
0x73: {  	[bflag:$0x0] =	sbarrier.arrive $0xFFFF  }
0x74: {  	p0 =	sne.s32 s2, $0x0;
	_ =	strace $0x90000047  }
0x75: {  	s0 =	sadd.s32 @!p0 $0x100000, s0;
	[bflag:$0x2] =	sbarrier.arrive $0xFFFF  }
0x76: {  	[sflag:s0] =	ssyncadd.tile.s32 @!p0 $0x1;
	_ =	shalt  }
.Lfunc_end2:
_tile_overlayer_lowered:
.L_overlay_start_2:
0x77: {  	(tag) =	ssettag $0x2  }
0x78: {  	s0 =	rddreg [dreg:$0x0];
	s2 =	stileid.u32  }
0x79: {  	s1 =	rddreg [dreg:$0x1];
	p0 =	sne.s32 s2, $0x0  }
0x7a: {  	s3 =	rddreg [dreg:$0x2];
	[bflag:$0x3] =	sbarrier.arrive $0xFFFF;
	s2 =	simm.s32 @!p0 $0x1C03  }
0x7b: {  	[timem:s3], [sflag:s2] =	dma.local @!p0 [hbm:s0], s1  }
0x7c: {  	s0 =	simm.s32 @!p0 $0x3  }
0x7d: {  	_ =	swait.ge @!p0 [sflag:s0], s1  }
0x7e: {  	s1 =	ssub.s32 @!p0 $0x0, s1;
	[sflag:s0] =	ssyncset.done @!p0 $0x0  }
0x7f: {  	[sflag:s0] =	ssyncadd.s32 @!p0 s1  }
0x80: {  	[bflag:$0x3] =	sbarrier.arrive $0xFFFF  }
0x81: {  	_ =	shalt  }

// kernel: kernel.8.cloned.1.call-start
scs
__scs_entry_jumppad:
0x0: {  	(pc) =	sbr.rel $0x88, $3  }
0x1: {  	(tag) =	ssettag $0x0;
	lr =	simm.s32 $0x1  }
0x2: {  	[smem:$0x3F9D] =	sst lr;
	_ =	strace $0xD0000000  }
0x3: {  	_ = 	snop  }
0x4: {  	_ = 	snop  }
0x5: {  	_ = 	snop  }
0x6: {  	_ = 	snop  }
0x7: {  	_ = 	snop  }
__scs_overlays_trampoline_lowered:
0x8: {  	[smem:$0x3FAC] =	sst s0  }
0x9: {  	[smem:$0x3FAD] =	sst s1  }
0xa: {  	[smem:$0x3FAE] =	sst s2  }
0xb: {  	[smem:$0x3FAF] =	sst s3  }
0xc: {  	[smem:$0x3FB0] =	sst s4  }
0xd: {  	[smem:$0x3FB1] =	sst s5  }
0xe: {  	[smem:$0x3FB2] =	sst s6  }
0xf: {  	[smem:$0x3FB3] =	sst s7  }
0x10: {  	[smem:$0x3FB4] =	sst s8  }
0x11: {  	[smem:$0x3FB5] =	sst s9;
	s0 =	simm.s32 @!p0 $0x0  }
0x12: {  	s1 =	sld [smem:$0x3F9B];
	s0 =	simm.s32 @p0 $0x1  }
0x13: {  	[smem:$0x3FB6] =	sst s0;
	s0 =	simm.s32 @!p1 $0x0  }
0x14: {  	s2 =	sld [smem:$0x3F9A];
	s0 =	simm.s32 @p1 $0x1  }
0x15: {  	[smem:$0x3FB7] =	sst s0;
	s0 =	simm.s32 @!p2 $0x0  }
0x16: {  	s3 =	sld [smem:$0x3FDB];
	s0 =	simm.s32 @p2 $0x1  }
0x17: {  	s4 =	simm.s32 $0x1BF5;
	[smem:$0x3FB9] =	sst s0  }
0x18: {  	s0 =	sld [smem:$0x3F9C];
	_ =	swait.ge [sflag:s4], $0x0  }
0x19: {  	s7 =	sld [smem:$0x3F9D]  }
0x1a: {  	s8 =	sadd.s32 $0xFFFFE003, lr  }
0x1b: {  	s9 =	sadd.s32 $0xFFFFFEF7, lr;
	s5 =	simm.s32 $0xFFFFFFFF;
	p2 =	slt.u32 s8, $0xFFFFF086  }
0x1c: {  	p1 =	slt.u32 s9, $0xF7A;
	s5 =	simm.s32 @!p2 $0x0  }
0x1d: {  	s5 =	simm.s32 @p1 $0x1;
	p0 =	seq.s32 s7, s2  }
0x1e: {  	s7 =	smul.u32 @!p0 $0xF7A, s2;
	p2 =	seq.s32 @!p0 s5, $0x0  }
0x1f: {  	s9 =	smul.u32 $0xF7A, s1;
	s8 =	simm.s32 @!p0 $0x1BF5;
	p2 =	por !p2, p0  }
0x20: {  	[sflag:s8] =	ssyncset.s32 @!p0 $0xFFFFF086;
	s6 =	sadd.s32 @!p0 s3, s7;
	s7 =	simm.s32 @!p0 $0x108  }
0x21: {  	s3 =	sadd.s32 s3, s9;
	s6 =	sadd.s32 @!p0 $0x88, s6;
	s7 =	simm.s32 @p2 $0x1082  }
0x22: {  	[simem:s7], [sflag:s8] =	dma.local @!p0 [hbm:s6], $0xF7A  }
0x23: {  	s9 =	sor.u32 $0xD0000000, s2;
	s6 =	simm.s32 $0x108;
	_ =	swait.ge @!p0 [sflag:s8], $0x0  }
0x24: {  	s3 =	sadd.s32 $0x88, s3;
	s6 =	simm.s32 @!p1 $0x1082;
	[sflag:s4] =	ssyncset.s32 $0xFFFFF086  }
0x25: {  	[simem:s6], [sflag:s4] =	dma.local [hbm:s3], $0xF7A  }
0x26: {  	[smem:$0x3F9D] =	sst s1;
	(tag) =	ssettag s2;
	_ =	strace s9  }
0x27: {  	s1 =	sld [smem:$0x3FAD]  }
0x28: {  	s2 =	sld [smem:$0x3FAE]  }
0x29: {  	s4 =	sld [smem:$0x3FB0]  }
0x2a: {  	p0 =	seq.s32 s5, $0x0;
	s5 =	sld [smem:$0x3FB1]  }
0x2b: {  	s6 =	sld [smem:$0x3FB2]  }
0x2c: {  	s7 =	sld [smem:$0x3FB3]  }
0x2d: {  	s3 =	simm.s32 $0x108;
	s8 =	sld [smem:$0x3FB4]  }
0x2e: {  	s3 =	simm.s32 @!p0 $0x1082;
	s9 =	sld [smem:$0x3FB5]  }
0x2f: {  	lr =	sadd.s32 s0, s3;
	s0 =	sld [smem:$0x3FAC]  }
0x30: {  	s3 =	sld [smem:$0x3FAF]  }
0x31: {  	[smem:$0x3FB8] =	sst s10  }
0x32: {  	s10 =	sld [smem:$0x3FB6];
	_ =	sdelay $0x3  }
0x33: {  	p0 =	seq.s32 s10, $0x1;
	s10 =	sld [smem:$0x3FB8];
	_ =	sdelay $0x3  }
0x34: {  	[smem:$0x3FB8] =	sst s10  }
0x35: {  	s10 =	sld [smem:$0x3FB7];
	_ =	sdelay $0x3  }
0x36: {  	p1 =	seq.s32 s10, $0x1;
	s10 =	sld [smem:$0x3FB8];
	_ =	sdelay $0x3  }
0x37: {  	[smem:$0x3FB8] =	sst s10  }
0x38: {  	s10 =	sld [smem:$0x3FB9]  }
0x39: {  	_ = 	snop;
	(pc) =	sbr.ind lr, $3  }
0x3a: {  	_ = 	snop  }
0x3b: {  	_ = 	snop  }
0x3c: {  	p2 =	seq.s32 s10, $0x1;
	s10 =	sld [smem:$0x3FB8]  }
0x3d: {  	_ =	shalt  }
0x3e: {  	_ =	shalt  }
0x3f: {  	_ =	shalt  }
0x40: {  	_ =	shalt  }
0x41: {  	_ =	shalt  }
0x42: {  	_ =	shalt  }
0x43: {  	_ =	shalt  }
0x44: {  	_ =	shalt  }
0x45: {  	_ =	shalt  }
0x46: {  	_ =	shalt  }
0x47: {  	_ =	shalt  }
0x48: {  	_ =	shalt  }
0x49: {  	_ =	shalt  }
0x4a: {  	_ =	shalt  }
0x4b: {  	_ =	shalt  }
0x4c: {  	_ =	shalt  }
0x4d: {  	_ =	shalt  }
0x4e: {  	_ =	shalt  }
0x4f: {  	_ =	shalt  }
0x50: {  	_ =	shalt  }
0x51: {  	_ =	shalt  }
0x52: {  	_ =	shalt  }
0x53: {  	_ =	shalt  }
0x54: {  	_ =	shalt  }
0x55: {  	_ =	shalt  }
0x56: {  	_ =	shalt  }
0x57: {  	_ =	shalt  }
0x58: {  	_ =	shalt  }
0x59: {  	_ =	shalt  }
0x5a: {  	_ =	shalt  }
0x5b: {  	_ =	shalt  }
0x5c: {  	_ =	shalt  }
0x5d: {  	_ =	shalt  }
0x5e: {  	_ =	shalt  }
0x5f: {  	_ =	shalt  }
0x60: {  	_ =	shalt  }
0x61: {  	_ =	shalt  }
0x62: {  	_ =	shalt  }
0x63: {  	_ =	shalt  }
0x64: {  	_ =	shalt  }
0x65: {  	_ =	shalt  }
0x66: {  	_ =	shalt  }
0x67: {  	_ =	shalt  }
0x68: {  	_ =	shalt  }
0x69: {  	_ =	shalt  }
0x6a: {  	_ =	shalt  }
0x6b: {  	_ =	shalt  }
0x6c: {  	_ =	shalt  }
0x6d: {  	_ =	shalt  }
0x6e: {  	_ =	shalt  }
0x6f: {  	_ =	shalt  }
0x70: {  	_ =	shalt  }
0x71: {  	_ =	shalt  }
0x72: {  	_ =	shalt  }
0x73: {  	_ =	shalt  }
0x74: {  	_ =	shalt  }
0x75: {  	_ =	shalt  }
0x76: {  	_ =	shalt  }
0x77: {  	_ =	shalt  }
0x78: {  	_ =	shalt  }
0x79: {  	_ =	shalt  }
0x7a: {  	_ =	shalt  }
0x7b: {  	_ =	shalt  }
0x7c: {  	_ =	shalt  }
0x7d: {  	_ =	shalt  }
0x7e: {  	_ =	shalt  }
0x7f: {  	_ =	shalt  }
0x80: {  	_ =	shalt  }
0x81: {  	_ =	shalt  }
0x82: {  	_ =	shalt  }
0x83: {  	_ =	shalt  }
0x84: {  	_ =	shalt  }
0x85: {  	_ =	shalt  }
0x86: {  	_ =	shalt  }
0x87: {  	_ =	shalt  }
.Lfunc_end0:
.L_simem_size_0:
called_computation.1_lowered:
.L_overlay_start_0:
0x88: {  	s2 =	sld [smem:$0x3FD9]  }
0x89: {  	s3 =	sld [smem:$0x3FFE];
	_ =	sdelay $0x1  }
0x8a: {  	s1 =	srdreg.scid  }
0x8b: {  	s0 =	sand.u32 $0x1, s1  }
0x8c: {  	s17 =	sshll.u32 s0, $0xA;
	s2 =	sadd.s32 s3, s2  }
0x8d: {  	s2 =	sadd.s32 s2, s17  }
0x8e: {  	[smem:$0x3FC4] =	sst s2  }
0x8f: {  	_ = 	snop  }
0x90: {  	s2 =	sld [smem:$0x3FD0];
	(tm) =	ssettm $0x1  }
0x91: {  	s18 =	sld [smem:$0x3FFB];
	_ =	sdelay $0x3  }
0x92: {  	_ =	strace s18  }
0x93: {  	s3 =	sld [smem:$0x3FFC];
	_ =	sdelay $0x3  }
0x94: {  	_ =	strace s3  }
0x95: {  	s3 =	sld [smem:$0x3FFD];
	_ =	sdelay $0x3  }
0x96: {  	_ =	strace s3  }
0x97: {  	_ =	strace $0x8FFFFFFF  }
0x98: {  	s19 =	sld [smem:$0x3FDB];
	_ =	sdelay $0x1  }
0x99: {  	s4 =	simm.s32 $_scs_section_size  }
0x9a: {  	s5 =	simm.s32 $_size__tile_overlayer_lowered;
	s6 =	simm.s32 $_tile_overlayer_lowered  }
0x9b: {  	s22 =	simm.s32 $0x1BFF;
	s21 =	sshll.u32 s6, $0x1;
	s3 =	sadd.s32 s4, s19  }
0x9c: {  	s7 =	simm.s32 $0x0;
	s20 =	sshll.u32 s5, $0x1;
	s5 =	sadd.s32 s21, s3  }
0x9d: {  	[timem:s7], [sflag:s22] =	dma.local [hbm:s5], s20  }
0x9e: {  	_ =	swait.ge [sflag:s22], s20  }
0x9f: {  	s4 =	ssub.s32 $0x0, s20;
	[sflag:s22] =	ssyncset.done $0x0  }
0xa0: {  	[sflag:s22] =	ssyncadd.s32 s4;
	_ =	sdelay $0x1  }
0xa1: {  	s23 =	simm.s32 $0x1B8B  }
0xa2: {  	_ =	swait.ge [sflag:s23], $0x1  }
0xa3: {  	[sflag:s23] =	ssyncset.done $0x0  }
0xa4: {  	s25 =	simm.s32 $0x1B8E;
	s24 =	sld [smem:$0x3FFE];
	[sflag:s23] =	ssyncadd.s32 $0xFFFFFFFF  }
0xa5: {  	s26 =	simm.s32 $execute0_lowered;
	[smem:$0x3FD2] =	sst s25  }
0xa6: {  	s5 =	sshll.u32 s26, $0x1;
	_ =	strace $0x80000049;
	[dreg:$0x1] =	wrdreg $0xFFFFFFFF  }
0xa7: {  	s28 =	simm.s32 $_size_execute0_lowered;
	s3 =	sadd.s32 s3, s5;
	[dreg:$0x0] =	wrdreg $0x0  }
0xa8: {  	s5 =	sshll.u32 s28, $0x1;
	[dreg:$0x2] =	wrdreg s3  }
0xa9: {  	[dreg:$0x3] =	wrdreg s5  }
0xaa: {  	[dreg:$0x4] =	wrdreg $0xC0  }
0xab: {  	_ =	task [dreg:s7], $0x5FFFF  }
0xac: {  	[dreg:$0x1] =	wrdreg $0xFFFFFFFF  }
0xad: {  	[dreg:$0x0] =	wrdreg $0x60  }
0xae: {  	[dreg:$0x2] =	wrdreg s2  }
0xaf: {  	[dreg:$0x3] =	wrdreg s24  }
0xb0: {  	[dreg:$0x4] =	wrdreg $0x9  }
0xb1: {  	_ =	task.clear_ibuf [dreg:s7], $0x5FFFF;
	_ =	strace $0x90000049  }
0xb2: {  	s29 =	simm.s32 $0x9;
	_ =	strace $0x8000004B  }
0xb3: {  	_ =	swait.ge [sflag:s29], $0x1  }
0xb4: {  	[sflag:s29] =	ssyncadd.s32 $0xFFFFFFFF  }
0xb5: {  	_ =	strace $0x9000004B  }
0xb6: {  	_ =	sfence  }
0xb7: {  	s30 =	sld [smem:$0x0];
	_ =	sdelay $0x2  }
0xb8: {  	s31 =	sshll.u32 s1, $0xD;
	s1 =	sshrl.u32 s1, $0x2  }
0xb9: {  	s3 =	sand.u32 $0x4000, s31;
	s1 =	sadd.s32 s1, s30  }
0xba: {  	s0 =	sor.u32 s3, s0;
	s1 =	sshll.u32 s1, $0x11  }
0xbb: {  	s0 =	sor.u32 s1, s0  }
0xbc: {  	s0 =	sadd.s32 $0x8F2B, s0  }
0xbd: {  	[sflag:s0] =	ssyncadd.remote.s32 $0x1  }
0xbe: {  	_ =	sfence.sel $0xFFFF  }
0xbf: {  	[dreg:$0x0] =	wrdreg $0xFFFFFFFF;
	(pc) =	sbr.abs _section_cstart, $3  }
0xc0: {  	[dreg:$0x1] =	wrdreg $0xFFFFFFFF  }
0xc1: {  	_ =	task.clear_ibuf [dreg:s7], $0x2FFFF;
	_ =	strace $0x9FFFFFFF  }
0xc2: {  	(tm) =	ssettm $0x7FFFFFFF  }
0xc3: {  	_ =	shalt  }
tec
execute0_lowered:
.L_overlay_start_1:
0x0: {  	(tag) =	ssettag $0x1  }
0x1: {  	s5 =	rddreg [dreg:$0x0]  }
0x2: {  	s4 =	rddreg [dreg:$0x1]  }
0x3: {  	s0 =	rddreg [dreg:$0x2];
	s2 =	simm.s32 $0x0;
	s3 =	srdreg.scid  }
0x4: {  	s1 =	stileid.u32;
	s10 =	simm.s32 $0x3;
	s11 =	simm.s32 $0x3400  }
0x5: {  	s12 =	simm.s32 $0x80;
	s13 =	simm.s32 $0x6C00;
	s14 =	simm.s32 $0x3480  }
0x6: {  	s15 =	simm.s32 $0x7C00;
	s16 =	simm.s32 $0x3500;
	s17 =	simm.s32 $0x8C00  }
0x7: {  	s18 =	simm.s32 $0x3580;
	s19 =	simm.s32 $0x9C00;
	s20 =	simm.s32 $0x1  }
0x8: {  	s21 =	simm.s32 $0x2;
	s22 =	simm.s32 $0x0;
	[smem:$0x7FF] =	sst s2  }
0x9: {  	v0 =	vlaneseq.u32;
	s6 =	sand.u32 $0x1, s3;
	s8 =	sshll.u32 s1, $0x1;
	s3 =	sadd.s32 $0x1000, s4  }
0xa: {  	vm0 =	vcmask $0x1F18;
	vm1 =	vcmask $0xF08;
	s4 =	sadd.s32 $0x237800, s4;
	v3 =	vand.u32 $0x3, v0;
	s7 =	ssub.s32 $0x2, s6;
	s6 =	sor.u32 s6, s8  }
0xb: {  	vm0 =	vmor vm1, vm0;
	vm1 =	vcmask $0x2F28;
	_ =	strace $0x8000004A;
	v1 =	vmul.u32 $0x200, v3;
	s9 =	sshrl.u32 s7, $0x1;
	s8 =	sshll.u32 s6, $0x6  }
0xc: {  	vm0 =	vmor vm0, vm1;
	vm1 =	vcmask $0x3F38;
	s6 =	smul.u32 $0x70000, s6;
	s7 =	ssub.s32 s7, s9;
	s5 =	sadd.s32 s5, s8  }
0xd: {  	v3 =	vmul.u32 $0x80, v3;
	vm0 =	vmor vm0, vm1;
	s8 =	simm.s32 $0x200;
	s9 =	simm.s32 $0x4000;
	v2 =	vadd.s32 $0xFFFFFC00, v1;
	s7 =	smax.u32 s7, $0x1  }
.LBB2_1:
0xe: {  	s23 =	simm.s32 $0x0  }
0xf: {  	s24 =	sand.u32 $0xFFFE, s23  }
0x10: {  	s24 =	sshrl.u32 s24, $0x1  }
0x11: {  	s24 =	smul.u32 $0x4925, s24;
	_ =	sdelay $0x1  }
0x12: {  	s24 =	sshrl.u32 s24, $0x11  }
0x13: {  	s25 =	smul.u32 $0xE, s24  }
0x14: {  	s23 =	sor.u32 $0x1, s23;
	s26 =	sshll.u32 s24, $0x3  }
0x15: {  	v4 =	vmov s26;
	s23 =	ssub.s32 s23, s25;
	s25 =	ssub.s32 $0x0, s25  }
0x16: {  	v4 =	vshrl.u32 v4, $0x3;
	s23 =	sshll.u32 s23, $0x4;
	s25 =	sshll.u32 s25, $0x4  }
0x17: {  	v4 =	vshll.u32 v4, $0x3;
	s23 =	sand.u32 $0xFFF0, s23;
	s25 =	sand.u32 $0xFFF0, s25  }
0x18: {  	v4 =	vbroadcast v4, $0x0;
	v5 =	vmov s23;
	v6 =	vmov s25  }
0x19: {  	s31 =	simm.s32 $0x2;
	s24 =	smul.u32 $0xE0, s24;
	v7 =	vor.u32 s23, v0;
	v9 =	vor.u32 s25, v0;
	v5 =	vshrl.u32 v5, $0x5  }
0x1a: {  	s28 =	sand.u32 $0xFFFE, s31;
	vm1 =	veq.s32 v6, $0xC0;
	v6 =	vshll.u32 v6, $0x6;
	v8 =	vshrl.u32 v7, $0x2  }
0x1b: {  	s23 =	sshrl.u32 s28, $0x1;
	v10 =	vshrl.u32 v9, $0x2;
	v7 =	vadd.s32 s24, v7;
	vm2 =	veq.s32 v5, $0x6  }
0x1c: {  	s23 =	smul.u32 $0x4925, s23;
	v5 =	vshll.u32 v5, $0xB;
	vm1 =	vmand vm1, vm0;
	v8 =	vand.u32 $0x7, v8  }
0x1d: {  	v6 =	vadd.s32 v1, v6;
	vm2 =	vmand vm2, vm0;
	v5 =	vor.u32 v1, v5  }
0x1e: {  	v10 =	vand.u32 $0x7, v10;
	s25 =	sshrl.u32 s23, $0x11;
	v6 =	vsel vm1, v2, v6;
	v5 =	vsel vm2, v2, v5  }
0x1f: {  	v11 =	vshrl.u32 v7, $0x2;
	s23 =	smul.u32 $0xE, s25;
	v5 =	vadd.s32 v4, v5;
	v4 =	vadd.s32 v4, v6  }
0x20: {  	s26 =	sor.u32 $0x1, s31;
	v6 =	vand.u32 $0xFE00, v7;
	v7 =	vand.u32 $0x78, v11;
	v5 =	vor.u32 v8, v5  }
0x21: {  	v11 =	vor.u32 v10, v4;
	v4 =	vadd.s32 s24, v9;
	v6 =	vor.u32 v7, v6;
	s29 =	ssub.s32 s26, s23  }
0x22: {  	s30 =	sshll.u32 s25, $0x3;
	s23 =	ssub.s32 $0x2, s23;
	v7 =	vand.u32 $0xFE00, v4;
	v4 =	vshrl.u32 v4, $0x2;
	v6 =	vor.u32 v8, v6;
	s24 =	sshll.u32 s29, $0x4  }
0x23: {  	s23 =	sshll.u32 s23, $0x4;
	v4 =	vand.u32 $0x78, v4;
	v13 =	vor.u32 v3, v6;
	v6 =	vmov s30;
	s24 =	sand.u32 $0xFFF0, s24  }
0x24: {  	s31 =	sand.u32 $0xFFF0, s23;
	v7 =	vor.u32 v4, v7;
	v4 =	vshrl.u32 v6, $0x3;
	v6 =	vmov s24  }
0x25: {  	v8 =	vmov s31;
	v9 =	vor.u32 s24, v0;
	v14 =	vor.u32 s31, v0  }
0x26: {  	[tilespmem:s2], [sflag:$0x3] =	stream.strided.gather [hbm4b:s5+s8], $0x3400, s9, s8, $0x38;
	v4 =	vshll.u32 v4, $0x3;
	v6 =	vshrl.u32 v6, $0x5;
	vm1 =	veq.s32 v8, $0xC0;
	[tilespmem:$0x16C00] =	vst v63  }
0x27: {  	s23 =	simm.s32 $0x4;
	v8 =	vshll.u32 v8, $0x6;
	vm2 =	veq.s32 v6, $0x6;
	v6 =	vshll.u32 v6, $0xB  }
0x28: {  	s28 =	sand.u32 $0xFFFE, s23;
	v4 =	vbroadcast v4, $0x0;
	vm2 =	vmand vm2, vm0;
	v6 =	vor.u32 v1, v6  }
0x29: {  	s25 =	smul.u32 $0xE0, s25;
	v12 =	vshrl.u32 v9, $0x2;
	s24 =	sshrl.u32 s28, $0x1;
	vm1 =	vmand vm1, vm0;
	v6 =	vsel vm2, v2, v6  }
0x2a: {  	v12 =	vand.u32 $0x7, v12;
	s24 =	smul.u32 $0x4925, s24;
	v8 =	vadd.s32 v1, v8;
	v6 =	vadd.s32 v4, v6  }
0x2b: {  	_ =	swait.ge [sflag:s10], $0x3400;
	v15 =	vor.u32 v12, v6;
	v6 =	vsel vm1, v2, v8;
	v8 =	vadd.s32 s25, v9  }
0x2c: {  	[sflag:s10] =	ssyncset.done $0x0;
	s24 =	sshrl.u32 s24, $0x11;
	v9 =	vshrl.u32 v14, $0x2;
	v6 =	vadd.s32 v4, v6;
	v16 =	vshrl.u32 v8, $0x2  }
0x2d: {  	[sflag:s10] =	ssyncadd.s32 $0xFFFFCC00;
	s29 =	smul.u32 $0xE, s24;
	v4 =	vand.u32 $0x7, v9;
	v8 =	vand.u32 $0xFE00, v8;
	v9 =	vand.u32 $0x78, v16  }
0x2e: {  	s28 =	sor.u32 $0x1, s23;
	s31 =	sshll.u32 s24, $0x3;
	v63 =	vor.u32 v4, v6;
	v6 =	vadd.s32 s25, v14;
	v14 =	vld.idx.msk [tilespmem:v5+s2+$0x0], $0xffff;
	v5 =	vor.u32 v10, v7  }
0x2f: {  	s30 =	ssub.s32 $0x4, s29;
	s26 =	ssub.s32 s28, s29;
	v10 =	vmov s31;
	v8 =	vor.u32 v9, v8;
	v7 =	vshrl.u32 v6, $0x2  }
0x30: {  	s25 =	sshll.u32 s30, $0x4;
	s26 =	sshll.u32 s26, $0x4;
	v6 =	vand.u32 $0xFE00, v6;
	v8 =	vor.u32 v12, v8;
	v9 =	vand.u32 $0x78, v7  }
0x31: {  	s25 =	sand.u32 $0xFFF0, s25;
	s26 =	sand.u32 $0xFFF0, s26;
	v10 =	vshrl.u32 v10, $0x3;
	v8 =	vor.u32 v3, v8;
	v6 =	vor.u32 v9, v6;
	v9 =	vld.idx.msk [tilespmem:v15+s2+$0x0], $0xffff  }
0x32: {  	v7 =	vor.u32 v3, v5;
	v5 =	vld.idx.msk [tilespmem:v11+s2+$0x0], $0xffff;
	v12 =	vmov s25;
	v11 =	vmov s26  }
0x33: {  	vm1 =	veq.s32 v12, $0xC0;
	v15 =	vshll.u32 v10, $0x3;
	v17 =	vshrl.u32 v11, $0x5  }
0x34: {  	v11 =	vbroadcast v15, $0x0;
	vm2 =	veq.s32 v17, $0x6;
	[tilespmem:v13+s11+$0x0] =	vst.idx.msk $0xffff, v14;
	v10 =	vld.idx.msk [tilespmem:v63+s2+$0x0], $0xffff;
	v13 =	vshll.u32 v17, $0xB  }
.LBB2_2:
0x35: {  	s23 =	sadd.s32 $0x2, s23  }
0x36: {  	v14 =	vor.u32 s26, v0;
	vm2 =	vmand vm2, vm0;
	v13 =	vor.u32 v1, v13;
	[tilespmem:v8+s11+$0x0] =	vst.idx.msk $0xffff, v9;
	s26 =	sand.u32 $0xFFFE, s23  }
0x37: {  	v8 =	vshll.u32 v12, $0x6;
	s28 =	smul.u32 $0xE0, s24;
	p0 =	slt.u32 s23, $0x37E;
	v9 =	vshrl.u32 v14, $0x2;
	v12 =	vsel vm2, v2, v13;
	[tilespmem:v7+s11+$0x0] =	vst.idx.msk $0xffff, v5;
	s26 =	sshrl.u32 s26, $0x1  }
0x38: {  	vm1 =	vmand vm1, vm0;
	v7 =	vand.u32 $0x7, v9;
	v13 =	vadd.s32 v11, v12;
	s24 =	smul.u32 $0x4925, s26  }
0x39: {  	v8 =	vadd.s32 v1, v8;
	v9 =	vor.u32 s25, v0;
	v5 =	vmovc v10;
	v12 =	vor.u32 v7, v13  }
0x3a: {  	v8 =	vsel vm1, v2, v8;
	v10 =	vshrl.u32 v9, $0x2;
	v13 =	vadd.s32 s28, v14;
	s24 =	sshrl.u32 s24, $0x11  }
0x3b: {  	v8 =	vadd.s32 v11, v8;
	v10 =	vand.u32 $0x7, v10;
	v11 =	vshrl.u32 v13, $0x2;
	s25 =	smul.u32 $0xE, s24  }
0x3c: {  	v14 =	vor.u32 v10, v8;
	v8 =	vand.u32 $0xFE00, v13;
	v11 =	vand.u32 $0x78, v11  }
0x3d: {  	v6 =	vor.u32 v4, v6;
	s26 =	sor.u32 $0x1, s23;
	v9 =	vadd.s32 s28, v9;
	v4 =	vmovc v10;
	v8 =	vor.u32 v11, v8;
	s28 =	ssub.s32 s23, s25  }
0x3e: {  	v10 =	vand.u32 $0xFE00, v9;
	v11 =	vshrl.u32 v9, $0x2;
	v7 =	vor.u32 v7, v8;
	s25 =	ssub.s32 s26, s25;
	v9 =	vld.idx.msk [tilespmem:v12+s2+$0x0], $0xffff;
	s26 =	sshll.u32 s28, $0x4  }
.Ltmp0:
0x3f: {  	v11 =	vand.u32 $0x78, v11;
	v8 =	vor.u32 v3, v7;
	v7 =	vor.u32 v3, v6;
	s28 =	sshll.u32 s24, $0x3;
	s29 =	sshll.u32 s25, $0x4;
	(pc) =	sbr.rel @p0 .LBB2_2-.Ltmp0, $4  }
0x40: {  	v6 =	vor.u32 v11, v10;
	s25 =	sand.u32 $0xFFF0, s26;
	v13 =	vmov s28;
	s26 =	sand.u32 $0xFFF0, s29  }
0x41: {  	v12 =	vmov s25;
	v11 =	vshrl.u32 v13, $0x3;
	v13 =	vmov s26;
	v10 =	vld.idx.msk [tilespmem:v14+s2+$0x0], $0xffff  }
0x42: {  	vm1 =	veq.s32 v12, $0xC0;
	v11 =	vshll.u32 v11, $0x3;
	v13 =	vshrl.u32 v13, $0x5  }
0x43: {  	v11 =	vbroadcast v11, $0x0;
	vm2 =	veq.s32 v13, $0x6;
	v13 =	vshll.u32 v13, $0xB  }
0x44: {  	v14 =	vor.u32 s26, v0;
	vm2 =	vmand vm2, vm0;
	v13 =	vor.u32 v1, v13  }
0x45: {  	v12 =	vshll.u32 v12, $0x6;
	vm1 =	vmand vm1, vm0;
	v16 =	vor.u32 s25, v0  }
0x46: {  	s23 =	smul.u32 $0xE0, s24;
	v4 =	vor.u32 v4, v6;
	v15 =	vshrl.u32 v14, $0x2;
	v13 =	vsel vm2, v2, v13  }
0x47: {  	v12 =	vadd.s32 v1, v12;
	v17 =	vshrl.u32 v16, $0x2;
	v15 =	vand.u32 $0x7, v15  }
0x48: {  	v13 =	vadd.s32 v11, v13;
	v12 =	vsel vm1, v2, v12;
	v14 =	vadd.s32 s23, v14  }
0x49: {  	v17 =	vand.u32 $0x7, v17;
	v13 =	vor.u32 v15, v13;
	v59 =	vadd.s32 v11, v12  }
0x4a: {  	v16 =	vadd.s32 s23, v16;
	v60 =	vshrl.u32 v14, $0x2;
	v11 =	vor.u32 v17, v59  }
0x4b: {  	v14 =	vand.u32 $0xFE00, v14;
	v61 =	vshrl.u32 v16, $0x2;
	v12 =	vand.u32 $0x78, v60  }
0x4c: {  	v62 =	vand.u32 $0xFE00, v16;
	v12 =	vor.u32 v12, v14;
	v14 =	vand.u32 $0x78, v61  }
0x4d: {  	v4 =	vor.u32 v3, v4;
	v12 =	vor.u32 v15, v12;
	v63 =	vor.u32 v14, v62  }
0x4e: {  	v12 =	vor.u32 v3, v12;
	v6 =	vor.u32 v17, v63;
	v13 =	vld.idx.msk [tilespmem:v13+s2+$0x0], $0xffff  }
0x4f: {  	v6 =	vor.u32 v3, v6;
	v11 =	vld.idx.msk [tilespmem:v11+s2+$0x0], $0xffff  }
0x50: {  	[tilespmem:v8+s11+$0x0] =	vst.idx.msk $0xffff, v9  }
0x51: {  	[tilespmem:v7+s11+$0x0] =	vst.idx.msk $0xffff, v5  }
0x52: {  	[tilespmem:v4+s11+$0x0] =	vst.idx.msk $0xffff, v10  }
0x53: {  	[tilespmem:v12+s11+$0x0] =	vst.idx.msk $0xffff, v13  }
0x54: {  	[tilespmem:v6+s11+$0x0] =	vst.idx.msk $0xffff, v11  }
0x55: {  	[tilespmem:s13], [sflag:$0x1] =	stream.indirect.gather [hbm4b:s3+s12], $0x20, s11, s12, $0xb8;
	[tilespmem:$0x16C00] =	vst v63  }
0x56: {  	_ = 	snop  }
0x57: {  	[tilespmem:s15], [sflag:$0x1] =	stream.indirect.gather [hbm4b:s3+s12], $0x20, s14, s12, $0xb8;
	[tilespmem:$0x16C00] =	vst v63  }
0x58: {  	_ = 	snop  }
0x59: {  	[tilespmem:s17], [sflag:$0x1] =	stream.indirect.gather [hbm4b:s3+s12], $0x20, s16, s12, $0xb8;
	[tilespmem:$0x16C00] =	vst v63  }
0x5a: {  	s25 =	simm.s32 $0x0;
	s23 =	simm.s32 $0x0  }
0x5b: {  	[tilespmem:s19], [sflag:$0x1] =	stream.indirect.gather [hbm4b:s3+s12], $0x20, s18, s12, $0xb8;
	[tilespmem:$0x16C00] =	vst v63  }
.LBB2_4:
0x5c: {  	s24 =	sadd.s32 $0x1, s25;
	p0 =	seq.s32 s25, $0x1B  }
0x5d: {  	s26 =	sshll.u32 @!p0 s24, $0x9  }
0x5e: {  	s28 =	sshll.u32 @!p0 s23, $0xE;
	s26 =	sand.u32 @!p0 $0x3FFFFE00, s26  }
0x5f: {  	s31 =	simm.s32 @!p0 $0x80;
	s29 =	ssub.s32 @!p0 $0xAC00, s28;
	s30 =	sadd.s32 @!p0 $0x3400, s26  }
0x60: {  	[tilespmem:s29], [sflag:$0x1] =	stream.indirect.gather @!p0 [hbm4b:s3+s31], $0x20, s30, s31, $0xb8;
	[tilespmem:$0x16C00] =	vst v63  }
0x61: {  	s29 =	ssub.s32 @!p0 $0xBC00, s28;
	s30 =	sadd.s32 @!p0 $0x3480, s26  }
0x62: {  	[tilespmem:s29], [sflag:$0x1] =	stream.indirect.gather @!p0 [hbm4b:s3+s31], $0x20, s30, s31, $0xb8;
	[tilespmem:$0x16C00] =	vst v63  }
0x63: {  	s29 =	ssub.s32 @!p0 $0xCC00, s28;
	s30 =	sadd.s32 @!p0 $0x3500, s26  }
0x64: {  	[tilespmem:s29], [sflag:$0x1] =	stream.indirect.gather @!p0 [hbm4b:s3+s31], $0x20, s30, s31, $0xb8;
	[tilespmem:$0x16C00] =	vst v63  }
0x65: {  	s28 =	ssub.s32 @!p0 $0xDC00, s28;
	s26 =	sadd.s32 @!p0 $0x3580, s26  }
0x66: {  	[tilespmem:s28], [sflag:$0x1] =	stream.indirect.gather @!p0 [hbm4b:s3+s31], $0x20, s26, s31, $0xb8;
	[tilespmem:$0x16C00] =	vst v63  }
0x67: {  	_ =	swait.ge [sflag:s20], $0x1000  }
0x68: {  	[sflag:s20] =	ssyncset.done $0x0  }
0x69: {  	[sflag:s20] =	ssyncadd.s32 $0xFFFFF000  }
0x6a: {  	_ =	swait.ge [sflag:s20], $0x1000  }
0x6b: {  	[sflag:s20] =	ssyncset.done $0x0  }
0x6c: {  	[sflag:s20] =	ssyncadd.s32 $0xFFFFF000  }
0x6d: {  	_ =	swait.ge [sflag:s20], $0x1000  }
0x6e: {  	[sflag:s20] =	ssyncset.done $0x0  }
0x6f: {  	[sflag:s20] =	ssyncadd.s32 $0xFFFFF000  }
0x70: {  	_ =	swait.ge [sflag:s20], $0x1000  }
0x71: {  	p0 =	slt.u32 s25, $0x2;
	[sflag:s20] =	ssyncset.done $0x0  }
0x72: {  	s26 =	simm.s32 @!p0 $0x2;
	[sflag:s20] =	ssyncadd.s32 $0xFFFFF000  }
0x73: {  	s28 =	sshll.u32 s23, $0x10;
	_ =	swait.ge @!p0 [sflag:s26], $0x4000  }
0x74: {  	s28 =	sshra.s32 s28, $0x2;
	[sflag:s26] =	ssyncset.done @!p0 $0x0  }
0x75: {  	s29 =	sadd.s32 $0x8C00, s28;
	[sflag:s26] =	ssyncadd.s32 @!p0 $0xFFFFC000  }
0x76: {  	v4 =	vld [tilespmem:s29+$0xFFFFE020]  }
0x77: {  	v5 =	vld [tilespmem:s29+$0xFFFFE030]  }
0x78: {  	v6 =	vld [tilespmem:s29+$0x1030]  }
0x79: {  	v8 =	vld [tilespmem:s29+$0xFFFFF020]  }
0x7a: {  	v9 =	vld [tilespmem:s29+$0xFFFFF030]  }
0x7b: {  	v10 =	vld [tilespmem:s29+$0x20]  }
0x7c: {  	s26 =	sadd.s32 $0xEC80, s28;
	v11 =	vld [tilespmem:s29+$0x30]  }
0x7d: {  	v12 =	vld [tilespmem:s29+$0x1020];
	[tilespmem:s26+$0x70] =	vst v6  }
0x7e: {  	v13 =	vld [tilespmem:s29+$0xFFFFE010];
	[tilespmem:s26+$0x0] =	vst v4  }
0x7f: {  	v7 =	vld [tilespmem:s29+$0xFFFFF010];
	[tilespmem:s26+$0x10] =	vst v5  }
0x80: {  	v6 =	vld [tilespmem:s29+$0xFFFFF000];
	[tilespmem:s26+$0x20] =	vst v8  }
0x81: {  	v8 =	vld [tilespmem:s29+$0x0];
	[tilespmem:s26+$0x30] =	vst v9  }
0x82: {  	v9 =	vld [tilespmem:s29+$0x10];
	[tilespmem:s26+$0x40] =	vst v10  }
0x83: {  	v5 =	vld [tilespmem:s29+$0x1000];
	[tilespmem:s26+$0x50] =	vst v11  }
0x84: {  	v4 =	vld [tilespmem:s29+$0x1010];
	[tilespmem:s26+$0x60] =	vst v12  }
0x85: {  	s28 =	simm.s32 $0x0;
	v10 =	vld [tilespmem:s29+$0xFFFFE000];
	[tilespmem:s26+$0xFFFFFF90] =	vst v13;
	s29 =	sadd.s32 $0x40, s29  }
.LBB2_5:
0x86: {  	v11 =	vld [tilespmem:s29+$0xFFFFE020];
	[tilespmem:s26+$0xFFFFFFA0] =	vst v6  }
0x87: {  	v12 =	vld [tilespmem:s29+$0xFFFFE030];
	[tilespmem:s26+$0xFFFFFFB0] =	vst v7  }
0x88: {  	s28 =	sadd.s32 $0x2, s28;
	v6 =	vld [tilespmem:s29+$0x1030];
	[tilespmem:s26+$0xFFFFFFC0] =	vst v8  }
0x89: {  	p0 =	slt.u32 s28, $0x7E;
	v8 =	vld [tilespmem:s29+$0xFFFFF020];
	[tilespmem:s26+$0xFFFFFFD0] =	vst v9  }
0x8a: {  	v9 =	vld [tilespmem:s29+$0xFFFFF030];
	[tilespmem:s26+$0xFFFFFF80] =	vst v10  }
0x8b: {  	v10 =	vld [tilespmem:s29+$0x20];
	[tilespmem:s26+$0xFFFFFFE0] =	vst v5  }
0x8c: {  	v13 =	vld [tilespmem:s29+$0x30];
	[tilespmem:s26+$0xFFFFFFF0] =	vst v4;
	s26 =	sadd.s32 $0x100, s26  }
0x8d: {  	v14 =	vld [tilespmem:s29+$0x1020];
	[tilespmem:s26+$0x70] =	vst v6  }
0x8e: {  	v15 =	vld [tilespmem:s29+$0xFFFFE010];
	[tilespmem:s26+$0x0] =	vst v11  }
0x8f: {  	v6 =	vld [tilespmem:s29+$0xFFFFF000];
	[tilespmem:s26+$0x10] =	vst v12  }
0x90: {  	v7 =	vld [tilespmem:s29+$0xFFFFF010];
	[tilespmem:s26+$0x20] =	vst v8  }
.Ltmp1:
0x91: {  	v8 =	vld [tilespmem:s29+$0x0];
	[tilespmem:s26+$0x30] =	vst v9;
	(pc) =	sbr.rel @p0 .LBB2_5-.Ltmp1, $4  }
0x92: {  	v9 =	vld [tilespmem:s29+$0x10];
	[tilespmem:s26+$0x40] =	vst v10  }
0x93: {  	v5 =	vld [tilespmem:s29+$0x1000];
	[tilespmem:s26+$0x50] =	vst v13  }
0x94: {  	v4 =	vld [tilespmem:s29+$0x1010];
	[tilespmem:s26+$0x60] =	vst v14  }
0x95: {  	v10 =	vld [tilespmem:s29+$0xFFFFE000];
	[tilespmem:s26+$0xFFFFFF90] =	vst v15;
	s29 =	sadd.s32 $0x40, s29  }
0x96: {  	[tilespmem:s26+$0xFFFFFFA0] =	vst v6  }
0x97: {  	[tilespmem:s26+$0xFFFFFFB0] =	vst v7  }
0x98: {  	[tilespmem:s26+$0xFFFFFFC0] =	vst v8  }
0x99: {  	s25 =	sshll.u32 s25, $0xE;
	p0 =	sne.s32 s24, $0x1C;
	[tilespmem:s26+$0xFFFFFFD0] =	vst v9  }
.Ltmp2:
0x9a: {  	s28 =	sshll.u32 s23, $0xE;
	s25 =	sadd.s32 s6, s25;
	[tilespmem:s26+$0xFFFFFFE0] =	vst v5;
	(pc) =	sbr.rel @p0 .LBB2_4-.Ltmp2, $4  }
0x9b: {  	s28 =	sand.u32 $0x3FFFC000, s28;
	s25 =	sshrl.u32 s25, $0x3;
	[tilespmem:s26+$0xFFFFFFF0] =	vst v4  }
0x9c: {  	s31 =	sadd.s32 $0xEC00, s28;
	s25 =	sadd.s32 s4, s25;
	[tilespmem:s26+$0xFFFFFF80] =	vst v10  }
0x9d: {  	[hbm4b:s25+s2] =	stream.linear.scatter [tilespmem:s31], [sflag:$0x2], $0x4000, $0x38;
	[tilespmem:$0x16C00] =	vst v63  }
0x9e: {  	s23 =	sxor.u32 $0x1, s23;
	s25 =	smov.u32 s24  }
0x9f: {  	s22 =	sadd.s32 $0x1, s22  }
0xa0: {  	_ =	swait.ge [sflag:s21], $0x4000;
	p0 =	sne.s32 s22, s7  }
.Ltmp3:
0xa1: {  	[sflag:s21] =	ssyncset.done $0x0;
	(pc) =	sbr.rel @p0 .LBB2_1-.Ltmp3, $4  }
0xa2: {  	[sflag:s21] =	ssyncadd.s32 $0xFFFFC000  }
0xa3: {  	_ =	swait.ge [sflag:s21], $0x4000  }
0xa4: {  	[sflag:s21] =	ssyncset.done $0x0  }
0xa5: {  	[sflag:s21] =	ssyncadd.s32 $0xFFFFC000  }
0xa6: {  	_ =	sfence.sel $0x180000  }
0xa7: {  	[bflag:$0x0] =	sbarrier.arrive $0xFFFF  }
0xa8: {  	p0 =	sne.s32 s1, $0x0;
	_ =	strace $0x9000004A  }
0xa9: {  	s0 =	sadd.s32 @!p0 $0x100000, s0;
	[bflag:$0x2] =	sbarrier.arrive $0xFFFF  }
0xaa: {  	[sflag:s0] =	ssyncadd.tile.s32 @!p0 $0x1;
	_ =	shalt  }
.Lfunc_end2:
_tile_overlayer_lowered:
.L_overlay_start_2:
0xab: {  	(tag) =	ssettag $0x2  }
0xac: {  	s0 =	rddreg [dreg:$0x0];
	s2 =	stileid.u32  }
0xad: {  	s1 =	rddreg [dreg:$0x1];
	p0 =	sne.s32 s2, $0x0  }
0xae: {  	s3 =	rddreg [dreg:$0x2];
	[bflag:$0x3] =	sbarrier.arrive $0xFFFF;
	s2 =	simm.s32 @!p0 $0x1C03  }
0xaf: {  	[timem:s3], [sflag:s2] =	dma.local @!p0 [hbm:s0], s1  }
0xb0: {  	s0 =	simm.s32 @!p0 $0x3  }
0xb1: {  	_ =	swait.ge @!p0 [sflag:s0], s1  }
0xb2: {  	s1 =	ssub.s32 @!p0 $0x0, s1;
	[sflag:s0] =	ssyncset.done @!p0 $0x0  }
0xb3: {  	[sflag:s0] =	ssyncadd.s32 @!p0 s1  }
0xb4: {  	[bflag:$0x3] =	sbarrier.arrive $0xFFFF  }
0xb5: {  	_ =	shalt  }

</sc_bundles>
